<compile_context>
chip_gen: v7x
topology: tpu7x:2x2x1
jax: 0.10.2.dev20260603
libtpu: 0.0.44.dev20260713+nightly
codegen_flags: <defaults>
</compile_context>

<pallas_src>
import jax
import jax.numpy as jnp
from jax import lax
from jax.experimental import pallas as pl
from jax.experimental.pallas import tpu as pltpu
from jax.experimental.pallas import tpu_sc as plsc

ROWS = 128
COLS = 32768
N = ROWS * COLS
K = int(0.7 * N)
NC = 2
NS = 16
NW = NC * NS
LANES = 16
SHIFT = 17
NBINS = 1 << (32 - SHIFT)
HR = 256
HC = 128

ROWS_W = ROWS // NW
CCOLS = 8192
CPR = COLS // CCOLS
NCHUNK = ROWS_W * CPR
UNROLL = 8

LP = (0.0001415121753789439, 0.9954273382579881, -0.4640725804471214,
      0.21641043832781495, -0.05486285286206372)


def _hist_body(log_hbm, tgt_hbm, cnt_hbm, sum_hbm,
               lb0, lb1, tb0, tb1, hcnt, hsum, sl0, sl1, st0, st1):
    wid = lax.axis_index("s") * NC + lax.axis_index("c")
    row0 = wid * ROWS_W

    zi = jnp.zeros((LANES,), jnp.int32)
    zf = jnp.zeros((LANES,), jnp.float32)

    @plsc.parallel_loop(0, NBINS // LANES, unroll=8)
    def _zero(i):
        hcnt[pl.ds(i * LANES, LANES)] = zi
        hsum[pl.ds(i * LANES, LANES)] = zf

    lbufs = (lb0, lb1)
    tbufs = (tb0, tb1)
    lsems = (sl0, sl1)
    tsems = (st0, st1)
    ones = jnp.ones((LANES,), jnp.int32)

    def issue(ci, pi):
        sl = (pl.ds(row0 + ci // CPR, 1), pl.ds((ci % CPR) * CCOLS, CCOLS))
        pltpu.async_copy(log_hbm.at[sl], lbufs[pi], lsems[pi])
        pltpu.async_copy(tgt_hbm.at[sl], tbufs[pi], tsems[pi])

    def drain(pi):
        pltpu.make_async_copy(log_hbm.at[(pl.ds(0, 1), pl.ds(0, CCOLS))],
                              lbufs[pi], lsems[pi]).wait()
        pltpu.make_async_copy(tgt_hbm.at[(pl.ds(0, 1), pl.ds(0, CCOLS))],
                              tbufs[pi], tsems[pi]).wait()

    issue(0, 0)
    issue(1, 1)

    @pl.loop(0, NCHUNK, step=2)
    def _chunks(ci):
        for b in range(2):
            drain(b)

            lbuf = lbufs[b]
            tbuf = tbufs[b]

            @plsc.parallel_loop(0, CCOLS // LANES, unroll=UNROLL)
            def _scan(i):
                l = lbuf[0, pl.ds(i * LANES, LANES)]
                t = tbuf[0, pl.ds(i * LANES, LANES)]
                u = jnp.exp(-jnp.abs(l))
                sp = LP[4]
                for c in (LP[3], LP[2], LP[1], LP[0]):
                    sp = sp * u + c
                v = jnp.maximum(jnp.maximum(l, 0.0) - l * t + sp, 0.0)
                key = lax.bitcast_convert_type(v, jnp.int32)
                b2 = lax.shift_right_logical(key, SHIFT)
                plsc.addupdate_scatter(hcnt, [b2], ones)
                plsc.addupdate_scatter(hsum, [b2], v)

            @pl.when(ci + b + 2 < NCHUNK)
            def _prefetch():
                issue(ci + b + 2, b)

    pltpu.sync_copy(hcnt, cnt_hbm.at[wid])
    pltpu.sync_copy(hsum, sum_hbm.at[wid])


def _select_body(cnt_ref, sum_ref, o_ref):
    c2 = jnp.sum(cnt_ref[...].astype(jnp.float32), axis=0)
    s2 = jnp.sum(sum_ref[...], axis=0)

    p = lax.broadcasted_iota(jnp.int32, (HC, HC), 0)
    q = lax.broadcasted_iota(jnp.int32, (HC, HC), 1)
    upper = (p >= q).astype(jnp.float32)
    row_suf = jnp.dot(c2, upper, preferred_element_type=jnp.float32)
    r0 = lax.broadcasted_iota(jnp.int32, (HR, HR), 0)
    r1 = lax.broadcasted_iota(jnp.int32, (HR, HR), 1)
    strict = (r1 > r0).astype(jnp.float32)
    rows_below = jnp.dot(strict, row_suf[:, 0:1],
                         preferred_element_type=jnp.float32)
    suf = row_suf + rows_below

    idx = (lax.broadcasted_iota(jnp.int32, (HR, HC), 0) * HC
           + lax.broadcasted_iota(jnp.int32, (HR, HC), 1))
    kf = jnp.float32(K)
    b = jnp.max(jnp.where(suf >= kf, idx, -1))

    above = idx > b
    c_above = jnp.sum(jnp.where(above, c2, 0.0))
    s_above = jnp.sum(jnp.where(above, s2, 0.0))
    at_b = idx == b
    c_b = jnp.sum(jnp.where(at_b, c2, 0.0))
    s_b = jnp.sum(jnp.where(at_b, s2, 0.0))

    r_need = kf - c_above
    lo = lax.bitcast_convert_type(b << SHIFT, jnp.float32)
    hi = lax.bitcast_convert_type((b + 1) << SHIFT, jnp.float32)
    w = hi - lo
    m = c_b - r_need
    s_top_b = s_b - m * (lo + m * w / (2.0 * c_b))
    o_ref[...] = jnp.broadcast_to((s_above + s_top_b) / kf, (1, 1))


def kernel(logits, targets):
    hist = pl.kernel(
        _hist_body,
        out_type=[jax.ShapeDtypeStruct((NW, NBINS), jnp.int32),
                  jax.ShapeDtypeStruct((NW, NBINS), jnp.float32)],
        mesh=plsc.VectorSubcoreMesh(core_axis_name="c", subcore_axis_name="s"),
        compiler_params=pltpu.CompilerParams(needs_layout_passes=False),
        scratch_types=[
            pltpu.VMEM((1, CCOLS), jnp.float32),
            pltpu.VMEM((1, CCOLS), jnp.float32),
            pltpu.VMEM((1, CCOLS), jnp.float32),
            pltpu.VMEM((1, CCOLS), jnp.float32),
            pltpu.VMEM((NBINS,), jnp.int32),
            pltpu.VMEM((NBINS,), jnp.float32),
            pltpu.SemaphoreType.DMA,
            pltpu.SemaphoreType.DMA,
            pltpu.SemaphoreType.DMA,
            pltpu.SemaphoreType.DMA,
        ],
    )
    cnt, sums = hist(logits, targets)

    out = pl.pallas_call(
        _select_body,
        out_shape=jax.ShapeDtypeStruct((1, 1), jnp.float32),
    )(cnt.reshape(NW, HR, HC), sums.reshape(NW, HR, HC))
    return out.reshape(())

# --- scband reference (transcript-rebuilt; emitter-appended) ---
"""Pipeline reference for scband-ohemloss-60078002536846 (READ-ONLY COPY).

The authoritative reference and input builder live on the scoring server;
editing this copy changes nothing except your own understanding.
"""

import jax, jax.numpy as jnp
import numpy as np

RATE = 0.7

def _bce_with_logits(logits, targets):
    # numerically stable BCEWithLogitsLoss, reduction='none'
    return jnp.maximum(logits, 0.0) - logits * targets + jnp.log1p(jnp.exp(-jnp.abs(logits)))

def setup_inputs(seed: int = 0) -> dict:
    key = jax.random.key(seed)
    k1, k2 = jax.random.split(key)
    logits = jax.random.normal(k1, (128, 32768), dtype=jnp.float32)
    targets = jax.random.uniform(k2, (128, 32768), dtype=jnp.float32)
    return {"logits": logits, "targets": targets}

def reference(logits, targets):
    loss = _bce_with_logits(logits, targets)
    loss_flat = loss.reshape(-1)
    num_examples = loss_flat.size
    num_hard = int(RATE * num_examples)
    if num_hard == 0:
        return jnp.mean(loss_flat)
    loss_sorted, _ = jax.lax.top_k(loss_flat, num_hard)
    return jnp.mean(loss_sorted)

if __name__ == "__main__":
    import jax
    _d = setup_inputs()
    print(jax.jit(kernel)(*tuple(_d.values())))

</pallas_src>

<mosaic_0001>
#map = affine_map<(d0, d1) -> (0, 0)>
module attributes {stable_mosaic.version = 14 : i64} {
  func.func @_hist_body(%arg0: i32, %arg1: i32, %arg2: memref<128x32768xf32, #tpu.memory_space<hbm>>, %arg3: memref<128x32768xf32, #tpu.memory_space<hbm>>, %arg4: memref<32x32768xi32, #tpu.memory_space<hbm>>, %arg5: memref<32x32768xf32, #tpu.memory_space<hbm>>, %arg6: memref<1x8192xf32, #tpu.memory_space<vmem>>, %arg7: memref<1x8192xf32, #tpu.memory_space<vmem>>, %arg8: memref<1x8192xf32, #tpu.memory_space<vmem>>, %arg9: memref<1x8192xf32, #tpu.memory_space<vmem>>, %arg10: memref<32768xi32, #tpu.memory_space<vmem>>, %arg11: memref<32768xf32, #tpu.memory_space<vmem>>, %arg12: memref<!tpu.dma_semaphore, #tpu.memory_space<semaphore_mem>>, %arg13: memref<!tpu.dma_semaphore, #tpu.memory_space<semaphore_mem>>, %arg14: memref<!tpu.dma_semaphore, #tpu.memory_space<semaphore_mem>>, %arg15: memref<!tpu.dma_semaphore, #tpu.memory_space<semaphore_mem>>) attributes {dimension_semantics = [#tpu.dimension_semantics<core_parallel>, #tpu.dimension_semantics<subcore_parallel>], iteration_bounds = array<i64: 2, 16>, scalar_prefetch = 0 : i64, scratch_operands = 10 : i64, tpu.core_type = #tpu.core_type<sc_vector_subcore>, window_params = [{transform_indices = #map}, {transform_indices = #map}, {transform_indices = #map}, {transform_indices = #map}]} {
    %mul3A = arith.constant 2 : i32
    %mul3A_0 = arith.muli %arg1, %mul3A : i32
    %add3A = arith.addi %mul3A_0, %arg0 : i32
    %mul3A_1 = arith.constant 4 : i32
    %mul3A_2 = arith.muli %add3A, %mul3A_1 : i32
    %broadcast_in_dim3A = arith.constant 0 : i32
    %broadcast_in_dim3A_3 = vector.broadcast %broadcast_in_dim3A : i32 to vector<16xi32>
    %broadcast_in_dim3A_4 = arith.constant 0.000000e+00 : f32
    %broadcast_in_dim3A_5 = vector.broadcast %broadcast_in_dim3A_4 : f32 to vector<16xf32>
    %parallel_loop3A = arith.constant 0 : i32
    %parallel_loop3A_6 = arith.constant 2048 : i32
    %parallel_loop3A_7 = arith.constant 1 : i32
    scf.for %parallel_loop3A_33 = %parallel_loop3A to %parallel_loop3A_6 step %parallel_loop3A_7  : i32 {
      %parallel_loop3A_34 = arith.constant 16 : i32
      %parallel_loop3A_35 = arith.muli %parallel_loop3A_33, %parallel_loop3A_34 : i32
      %parallel_loop3A_36 = arith.index_cast %parallel_loop3A_35 : i32 to index
      %parallel_loop3A_37 = tpu.vector_load %arg10[%parallel_loop3A_36] {strides = array<i32>} : memref<32768xi32, #tpu.memory_space<vmem>>, vector<16xi32>,
      tpu.vector_store %arg10[%parallel_loop3A_36], %broadcast_in_dim3A_3 {strides = array<i32>} : memref<32768xi32, #tpu.memory_space<vmem>>, vector<16xi32>,
      %parallel_loop3A_38 = arith.constant 16 : i32
      %parallel_loop3A_39 = arith.muli %parallel_loop3A_33, %parallel_loop3A_38 : i32
      %parallel_loop3A_40 = arith.index_cast %parallel_loop3A_39 : i32 to index
      %parallel_loop3A_41 = tpu.vector_load %arg11[%parallel_loop3A_40] {strides = array<i32>} : memref<32768xf32, #tpu.memory_space<vmem>>, vector<16xf32>,
      tpu.vector_store %arg11[%parallel_loop3A_40], %broadcast_in_dim3A_5 {strides = array<i32>} : memref<32768xf32, #tpu.memory_space<vmem>>, vector<16xf32>,
    } {sc.loop_unroll_factor = 8 : i64, sc.parallel_access}
    %broadcast_in_dim3A_8 = arith.constant 1 : i32
    %broadcast_in_dim3A_9 = vector.broadcast %broadcast_in_dim3A_8 : i32 to vector<16xi32>
    %add3A_10 = arith.constant 0 : i32
    %add3A_11 = arith.addi %mul3A_2, %add3A_10 : i32
    %dma_start3A = arith.constant 0 : i32
    %dma_start3A_12 = tpu.memref_slice %arg2[%add3A_11, %dma_start3A] : memref<128x32768xf32, #tpu.memory_space<hbm>> -> memref<1x8192xf32, #tpu.memory_space<hbm>>
    %dma_start3A_13 = arith.constant 0 : i32
    %dma_start3A_14 = tpu.memref_slice %arg2[%add3A_11, %dma_start3A_13] : memref<128x32768xf32, #tpu.memory_space<hbm>> -> memref<1x8192xf32, #tpu.memory_space<hbm>>
    tpu.enqueue_dma source(%dma_start3A_14 : memref<1x8192xf32, #tpu.memory_space<hbm>>) target(%arg6 : memref<1x8192xf32, #tpu.memory_space<vmem>>) target_semaphore(%arg12 : memref<!tpu.dma_semaphore, #tpu.memory_space<semaphore_mem>>)
    %dma_start3A_15 = arith.constant 0 : i32
    %dma_start3A_16 = tpu.memref_slice %arg3[%add3A_11, %dma_start3A_15] : memref<128x32768xf32, #tpu.memory_space<hbm>> -> memref<1x8192xf32, #tpu.memory_space<hbm>>
    %dma_start3A_17 = arith.constant 0 : i32
    %dma_start3A_18 = tpu.memref_slice %arg3[%add3A_11, %dma_start3A_17] : memref<128x32768xf32, #tpu.memory_space<hbm>> -> memref<1x8192xf32, #tpu.memory_space<hbm>>
    tpu.enqueue_dma source(%dma_start3A_18 : memref<1x8192xf32, #tpu.memory_space<hbm>>) target(%arg8 : memref<1x8192xf32, #tpu.memory_space<vmem>>) target_semaphore(%arg14 : memref<!tpu.dma_semaphore, #tpu.memory_space<semaphore_mem>>)
    %add3A_19 = arith.constant 0 : i32
    %add3A_20 = arith.addi %mul3A_2, %add3A_19 : i32
    %dma_start3A_21 = arith.constant 8192 : i32
    %dma_start3A_22 = tpu.memref_slice %arg2[%add3A_20, %dma_start3A_21] : memref<128x32768xf32, #tpu.memory_space<hbm>> -> memref<1x8192xf32, #tpu.memory_space<hbm>>
    %dma_start3A_23 = arith.constant 8192 : i32
    %dma_start3A_24 = tpu.memref_slice %arg2[%add3A_20, %dma_start3A_23] : memref<128x32768xf32, #tpu.memory_space<hbm>> -> memref<1x8192xf32, #tpu.memory_space<hbm>>
    tpu.enqueue_dma source(%dma_start3A_24 : memref<1x8192xf32, #tpu.memory_space<hbm>>) target(%arg7 : memref<1x8192xf32, #tpu.memory_space<vmem>>) target_semaphore(%arg13 : memref<!tpu.dma_semaphore, #tpu.memory_space<semaphore_mem>>)
    %dma_start3A_25 = arith.constant 8192 : i32
    %dma_start3A_26 = tpu.memref_slice %arg3[%add3A_20, %dma_start3A_25] : memref<128x32768xf32, #tpu.memory_space<hbm>> -> memref<1x8192xf32, #tpu.memory_space<hbm>>
    %dma_start3A_27 = arith.constant 8192 : i32
    %dma_start3A_28 = tpu.memref_slice %arg3[%add3A_20, %dma_start3A_27] : memref<128x32768xf32, #tpu.memory_space<hbm>> -> memref<1x8192xf32, #tpu.memory_space<hbm>>
    tpu.enqueue_dma source(%dma_start3A_28 : memref<1x8192xf32, #tpu.memory_space<hbm>>) target(%arg9 : memref<1x8192xf32, #tpu.memory_space<vmem>>) target_semaphore(%arg15 : memref<!tpu.dma_semaphore, #tpu.memory_space<semaphore_mem>>)
    %scan3A = arith.constant 0 : i32
    %scan3A_29 = arith.constant 8 : i32
    %scan3A_30 = arith.addi %scan3A, %scan3A_29 : i32
    %scan3A_31 = arith.constant 1 : i32
    scf.for %scan3A_33 = %scan3A to %scan3A_30 step %scan3A_31  : i32 {
      %mul3A_34 = arith.constant 2 : i32
      %mul3A_35 = arith.muli %scan3A_33, %mul3A_34 : i32
      %add3A_36 = arith.constant 0 : i32
      %add3A_37 = arith.addi %add3A_36, %mul3A_35 : i32
      %dma_wait3A = arith.constant 0 : i32
      %dma_wait3A_38 = arith.constant 0 : i32
      %dma_wait3A_39 = tpu.memref_slice %arg2[%dma_wait3A, %dma_wait3A_38] : memref<128x32768xf32, #tpu.memory_space<hbm>> -> memref<1x8192xf32, #tpu.memory_space<hbm>>
      %dma_wait3A_40 = arith.constant 0 : i32
      %dma_wait3A_41 = arith.constant 0 : i32
      %dma_wait3A_42 = tpu.memref_slice %arg2[%dma_wait3A_40, %dma_wait3A_41] : memref<128x32768xf32, #tpu.memory_space<hbm>> -> memref<1x8192xf32, #tpu.memory_space<hbm>>
      tpu.wait_dma2 semaphore(%arg12 : memref<!tpu.dma_semaphore, #tpu.memory_space<semaphore_mem>>) src(%dma_wait3A_42 : memref<1x8192xf32, #tpu.memory_space<hbm>>) dst(%arg6 : memref<1x8192xf32, #tpu.memory_space<vmem>>)
      %dma_wait3A_43 = arith.constant 0 : i32
      %dma_wait3A_44 = arith.constant 0 : i32
      %dma_wait3A_45 = tpu.memref_slice %arg3[%dma_wait3A_43, %dma_wait3A_44] : memref<128x32768xf32, #tpu.memory_space<hbm>> -> memref<1x8192xf32, #tpu.memory_space<hbm>>
      %dma_wait3A_46 = arith.constant 0 : i32
      %dma_wait3A_47 = arith.constant 0 : i32
      %dma_wait3A_48 = tpu.memref_slice %arg3[%dma_wait3A_46, %dma_wait3A_47] : memref<128x32768xf32, #tpu.memory_space<hbm>> -> memref<1x8192xf32, #tpu.memory_space<hbm>>
      tpu.wait_dma2 semaphore(%arg14 : memref<!tpu.dma_semaphore, #tpu.memory_space<semaphore_mem>>) src(%dma_wait3A_48 : memref<1x8192xf32, #tpu.memory_space<hbm>>) dst(%arg8 : memref<1x8192xf32, #tpu.memory_space<vmem>>)
      %parallel_loop3A_49 = arith.constant 0 : i32
      %parallel_loop3A_50 = arith.constant 512 : i32
      %parallel_loop3A_51 = arith.constant 1 : i32
      scf.for %parallel_loop3A_82 = %parallel_loop3A_49 to %parallel_loop3A_50 step %parallel_loop3A_51  : i32 {
        %parallel_loop3A_83 = arith.constant 16 : i32
        %parallel_loop3A_84 = arith.muli %parallel_loop3A_82, %parallel_loop3A_83 : i32
        %parallel_loop3A_85 = arith.constant 0 : i32
        %parallel_loop3A_86 = arith.index_cast %parallel_loop3A_85 : i32 to index
        %parallel_loop3A_87 = arith.index_cast %parallel_loop3A_84 : i32 to index
        %parallel_loop3A_88 = tpu.vector_load %arg6[%parallel_loop3A_86, %parallel_loop3A_87] {strides = array<i32>} : memref<1x8192xf32, #tpu.memory_space<vmem>>, vector<16xf32>,
        %parallel_loop3A_89 = arith.constant 16 : i32
        %parallel_loop3A_90 = arith.muli %parallel_loop3A_82, %parallel_loop3A_89 : i32
        %parallel_loop3A_91 = arith.constant 0 : i32
        %parallel_loop3A_92 = arith.index_cast %parallel_loop3A_91 : i32 to index
        %parallel_loop3A_93 = arith.index_cast %parallel_loop3A_90 : i32 to index
        %parallel_loop3A_94 = tpu.vector_load %arg8[%parallel_loop3A_92, %parallel_loop3A_93] {strides = array<i32>} : memref<1x8192xf32, #tpu.memory_space<vmem>>, vector<16xf32>,
        %parallel_loop3A_95 = math.absf %parallel_loop3A_88 : vector<16xf32>
        %parallel_loop3A_96 = arith.constant 0.000000e+00 : f32
        %parallel_loop3A_97 = vector.broadcast %parallel_loop3A_96 : f32 to vector<16xf32>
        %parallel_loop3A_98 = arith.subf %parallel_loop3A_97, %parallel_loop3A_95 : vector<16xf32>
        %parallel_loop3A_99 = math.exp %parallel_loop3A_98 : vector<16xf32>
        %parallel_loop3A_100 = arith.constant -0.0548628531 : f32
        %parallel_loop3A_101 = vector.broadcast %parallel_loop3A_100 : f32 to vector<16xf32>
        %parallel_loop3A_102 = arith.mulf %parallel_loop3A_101, %parallel_loop3A_99 : vector<16xf32>
        %parallel_loop3A_103 = arith.constant 0.216410443 : f32
        %parallel_loop3A_104 = vector.broadcast %parallel_loop3A_103 : f32 to vector<16xf32>
        %parallel_loop3A_105 = arith.addf %parallel_loop3A_102, %parallel_loop3A_104 : vector<16xf32>
        %parallel_loop3A_106 = arith.mulf %parallel_loop3A_105, %parallel_loop3A_99 : vector<16xf32>
        %parallel_loop3A_107 = arith.constant -0.464072585 : f32
        %parallel_loop3A_108 = vector.broadcast %parallel_loop3A_107 : f32 to vector<16xf32>
        %parallel_loop3A_109 = arith.addf %parallel_loop3A_106, %parallel_loop3A_108 : vector<16xf32>
        %parallel_loop3A_110 = arith.mulf %parallel_loop3A_109, %parallel_loop3A_99 : vector<16xf32>
        %parallel_loop3A_111 = arith.constant 0.99542731 : f32
        %parallel_loop3A_112 = vector.broadcast %parallel_loop3A_111 : f32 to vector<16xf32>
        %parallel_loop3A_113 = arith.addf %parallel_loop3A_110, %parallel_loop3A_112 : vector<16xf32>
        %parallel_loop3A_114 = arith.mulf %parallel_loop3A_113, %parallel_loop3A_99 : vector<16xf32>
        %parallel_loop3A_115 = arith.constant 1.41512181E-4 : f32
        %parallel_loop3A_116 = vector.broadcast %parallel_loop3A_115 : f32 to vector<16xf32>
        %parallel_loop3A_117 = arith.addf %parallel_loop3A_114, %parallel_loop3A_116 : vector<16xf32>
        %parallel_loop3A_118 = arith.constant 0.000000e+00 : f32
        %parallel_loop3A_119 = vector.broadcast %parallel_loop3A_118 : f32 to vector<16xf32>
        %parallel_loop3A_120 = arith.maximumf %parallel_loop3A_88, %parallel_loop3A_119 : vector<16xf32>
        %parallel_loop3A_121 = arith.mulf %parallel_loop3A_88, %parallel_loop3A_94 : vector<16xf32>
        %parallel_loop3A_122 = arith.subf %parallel_loop3A_120, %parallel_loop3A_121 : vector<16xf32>
        %parallel_loop3A_123 = arith.addf %parallel_loop3A_122, %parallel_loop3A_117 : vector<16xf32>
        %parallel_loop3A_124 = arith.constant 0.000000e+00 : f32
        %parallel_loop3A_125 = vector.broadcast %parallel_loop3A_124 : f32 to vector<16xf32>
        %parallel_loop3A_126 = arith.maximumf %parallel_loop3A_123, %parallel_loop3A_125 : vector<16xf32>
        %parallel_loop3A_127 = tpu.bitcast %parallel_loop3A_126 : vector<16xf32> -> vector<16xi32>
        %parallel_loop3A_128 = arith.constant 17 : i32
        %parallel_loop3A_129 = vector.broadcast %parallel_loop3A_128 : i32 to vector<16xi32>
        %parallel_loop3A_130 = arith.shrui %parallel_loop3A_127, %parallel_loop3A_129 : vector<16xi32>
        tpu.vector_store_idx %arg10[%parallel_loop3A_130], %broadcast_in_dim3A_9 {add = true} : memref<32768xi32, #tpu.memory_space<vmem>>[vector<16xi32>], vector<16xi32>,
        tpu.vector_store_idx %arg11[%parallel_loop3A_130], %parallel_loop3A_126 {add = true} : memref<32768xf32, #tpu.memory_space<vmem>>[vector<16xi32>], vector<16xf32>,
      } {sc.loop_unroll_factor = 8 : i64, sc.parallel_access}
      %add3A_52 = arith.constant 0 : i32
      %add3A_53 = arith.addi %add3A_37, %add3A_52 : i32
      %add3A_54 = arith.constant 2 : i32
      %add3A_55 = arith.addi %add3A_53, %add3A_54 : i32
      %lt3A = arith.constant 16 : i32
      %lt3A_56 = arith.cmpi slt, %add3A_55, %lt3A : i32
      %convert_element_type3A = arith.extui %lt3A_56 : i1 to i32
      %cond3A = arith.constant 0 : i32
      %cond3A_57 = arith.cmpi ne, %convert_element_type3A, %cond3A : i32
      scf.if %cond3A_57 {
        %add3A_82 = arith.constant 0 : i32
        %add3A_83 = arith.addi %add3A_37, %add3A_82 : i32
        %add3A_84 = arith.constant 2 : i32
        %add3A_85 = arith.addi %add3A_83, %add3A_84 : i32
        %jit3A = arith.constant 4 : i32
        %div3A = arith.divsi %add3A_85, %jit3A : i32
        %sign3A = arith.constant 0 : i32
        %sign3A_86 = arith.cmpi sgt, %add3A_85, %sign3A : i32
        %sign3A_87 = arith.extui %sign3A_86 : i1 to i32
        %sign3A_88 = arith.constant 0 : i32
        %sign3A_89 = arith.cmpi slt, %add3A_85, %sign3A_88 : i32
        %sign3A_90 = arith.extui %sign3A_89 : i1 to i32
        %sign3A_91 = arith.subi %sign3A_87, %sign3A_90 : i32
        %sign3A_92 = arith.constant 0 : i32
        %sign3A_93 = arith.cmpi sgt, %jit3A, %sign3A_92 : i32
        %sign3A_94 = arith.extui %sign3A_93 : i1 to i32
        %sign3A_95 = arith.constant 0 : i32
        %sign3A_96 = arith.cmpi slt, %jit3A, %sign3A_95 : i32
        %sign3A_97 = arith.extui %sign3A_96 : i1 to i32
        %sign3A_98 = arith.subi %sign3A_94, %sign3A_97 : i32
        %ne3A = arith.cmpi ne, %sign3A_91, %sign3A_98 : i32
        %rem3A = arith.remsi %add3A_85, %jit3A : i32
        %ne3A_99 = arith.constant 0 : i32
        %ne3A_100 = arith.cmpi ne, %rem3A, %ne3A_99 : i32
        %and3A = arith.andi %ne3A, %ne3A_100 : i1
        %sub3A = arith.constant 1 : i32
        %sub3A_101 = arith.subi %div3A, %sub3A : i32
        %select_n3A = arith.select %and3A, %sub3A_101, %div3A : i32
        %add3A_102 = arith.addi %mul3A_2, %select_n3A : i32
        %jit3A_103 = arith.constant 4 : i32
        %eq3A = arith.constant 0 : i32
        %eq3A_104 = arith.cmpi eq, %jit3A_103, %eq3A : i32
        %jit3A_105 = arith.constant 1 : i32
        %select_n3A_106 = arith.select %eq3A_104, %jit3A_105, %jit3A_103 : i32
        %rem3A_107 = arith.remsi %add3A_85, %select_n3A_106 : i32
        %ne3A_108 = arith.constant 0 : i32
        %ne3A_109 = arith.cmpi ne, %rem3A_107, %ne3A_108 : i32
        %lt3A_110 = arith.constant 0 : i32
        %lt3A_111 = arith.cmpi slt, %rem3A_107, %lt3A_110 : i32
        %lt3A_112 = arith.constant 0 : i32
        %lt3A_113 = arith.cmpi slt, %select_n3A_106, %lt3A_112 : i32
        %ne3A_114 = arith.xori %lt3A_111, %lt3A_113 : i1
        %and3A_115 = arith.andi %ne3A_114, %ne3A_109 : i1
        %add3A_116 = arith.addi %rem3A_107, %select_n3A_106 : i32
        %select_n3A_117 = arith.select %and3A_115, %add3A_116, %rem3A_107 : i32
        %mul3A_118 = arith.constant 8192 : i32
        %mul3A_119 = arith.muli %select_n3A_117, %mul3A_118 : i32
        %dma_start3A_120 = tpu.memref_slice %arg2[%add3A_102, %mul3A_119] : memref<128x32768xf32, #tpu.memory_space<hbm>> -> memref<1x8192xf32, #tpu.memory_space<hbm>>
        %dma_start3A_121 = tpu.memref_slice %arg2[%add3A_102, %mul3A_119] : memref<128x32768xf32, #tpu.memory_space<hbm>> -> memref<1x8192xf32, #tpu.memory_space<hbm>>
        tpu.enqueue_dma source(%dma_start3A_121 : memref<1x8192xf32, #tpu.memory_space<hbm>>) target(%arg6 : memref<1x8192xf32, #tpu.memory_space<vmem>>) target_semaphore(%arg12 : memref<!tpu.dma_semaphore, #tpu.memory_space<semaphore_mem>>)
        %dma_start3A_122 = tpu.memref_slice %arg3[%add3A_102, %mul3A_119] : memref<128x32768xf32, #tpu.memory_space<hbm>> -> memref<1x8192xf32, #tpu.memory_space<hbm>>
        %dma_start3A_123 = tpu.memref_slice %arg3[%add3A_102, %mul3A_119] : memref<128x32768xf32, #tpu.memory_space<hbm>> -> memref<1x8192xf32, #tpu.memory_space<hbm>>
        tpu.enqueue_dma source(%dma_start3A_123 : memref<1x8192xf32, #tpu.memory_space<hbm>>) target(%arg8 : memref<1x8192xf32, #tpu.memory_space<vmem>>) target_semaphore(%arg14 : memref<!tpu.dma_semaphore, #tpu.memory_space<semaphore_mem>>)
      } else {
      }
      %dma_wait3A_58 = arith.constant 0 : i32
      %dma_wait3A_59 = arith.constant 0 : i32
      %dma_wait3A_60 = tpu.memref_slice %arg2[%dma_wait3A_58, %dma_wait3A_59] : memref<128x32768xf32, #tpu.memory_space<hbm>> -> memref<1x8192xf32, #tpu.memory_space<hbm>>
      %dma_wait3A_61 = arith.constant 0 : i32
      %dma_wait3A_62 = arith.constant 0 : i32
      %dma_wait3A_63 = tpu.memref_slice %arg2[%dma_wait3A_61, %dma_wait3A_62] : memref<128x32768xf32, #tpu.memory_space<hbm>> -> memref<1x8192xf32, #tpu.memory_space<hbm>>
      tpu.wait_dma2 semaphore(%arg13 : memref<!tpu.dma_semaphore, #tpu.memory_space<semaphore_mem>>) src(%dma_wait3A_63 : memref<1x8192xf32, #tpu.memory_space<hbm>>) dst(%arg7 : memref<1x8192xf32, #tpu.memory_space<vmem>>)
      %dma_wait3A_64 = arith.constant 0 : i32
      %dma_wait3A_65 = arith.constant 0 : i32
      %dma_wait3A_66 = tpu.memref_slice %arg3[%dma_wait3A_64, %dma_wait3A_65] : memref<128x32768xf32, #tpu.memory_space<hbm>> -> memref<1x8192xf32, #tpu.memory_space<hbm>>
      %dma_wait3A_67 = arith.constant 0 : i32
      %dma_wait3A_68 = arith.constant 0 : i32
      %dma_wait3A_69 = tpu.memref_slice %arg3[%dma_wait3A_67, %dma_wait3A_68] : memref<128x32768xf32, #tpu.memory_space<hbm>> -> memref<1x8192xf32, #tpu.memory_space<hbm>>
      tpu.wait_dma2 semaphore(%arg15 : memref<!tpu.dma_semaphore, #tpu.memory_space<semaphore_mem>>) src(%dma_wait3A_69 : memref<1x8192xf32, #tpu.memory_space<hbm>>) dst(%arg9 : memref<1x8192xf32, #tpu.memory_space<vmem>>)
      %parallel_loop3A_70 = arith.constant 0 : i32
      %parallel_loop3A_71 = arith.constant 512 : i32
      %parallel_loop3A_72 = arith.constant 1 : i32
      scf.for %parallel_loop3A_82 = %parallel_loop3A_70 to %parallel_loop3A_71 step %parallel_loop3A_72  : i32 {
        %parallel_loop3A_83 = arith.constant 16 : i32
        %parallel_loop3A_84 = arith.muli %parallel_loop3A_82, %parallel_loop3A_83 : i32
        %parallel_loop3A_85 = arith.constant 0 : i32
        %parallel_loop3A_86 = arith.index_cast %parallel_loop3A_85 : i32 to index
        %parallel_loop3A_87 = arith.index_cast %parallel_loop3A_84 : i32 to index
        %parallel_loop3A_88 = tpu.vector_load %arg7[%parallel_loop3A_86, %parallel_loop3A_87] {strides = array<i32>} : memref<1x8192xf32, #tpu.memory_space<vmem>>, vector<16xf32>,
        %parallel_loop3A_89 = arith.constant 16 : i32
        %parallel_loop3A_90 = arith.muli %parallel_loop3A_82, %parallel_loop3A_89 : i32
        %parallel_loop3A_91 = arith.constant 0 : i32
        %parallel_loop3A_92 = arith.index_cast %parallel_loop3A_91 : i32 to index
        %parallel_loop3A_93 = arith.index_cast %parallel_loop3A_90 : i32 to index
        %parallel_loop3A_94 = tpu.vector_load %arg9[%parallel_loop3A_92, %parallel_loop3A_93] {strides = array<i32>} : memref<1x8192xf32, #tpu.memory_space<vmem>>, vector<16xf32>,
        %parallel_loop3A_95 = math.absf %parallel_loop3A_88 : vector<16xf32>
        %parallel_loop3A_96 = arith.constant 0.000000e+00 : f32
        %parallel_loop3A_97 = vector.broadcast %parallel_loop3A_96 : f32 to vector<16xf32>
        %parallel_loop3A_98 = arith.subf %parallel_loop3A_97, %parallel_loop3A_95 : vector<16xf32>
        %parallel_loop3A_99 = math.exp %parallel_loop3A_98 : vector<16xf32>
        %parallel_loop3A_100 = arith.constant -0.0548628531 : f32
        %parallel_loop3A_101 = vector.broadcast %parallel_loop3A_100 : f32 to vector<16xf32>
        %parallel_loop3A_102 = arith.mulf %parallel_loop3A_101, %parallel_loop3A_99 : vector<16xf32>
        %parallel_loop3A_103 = arith.constant 0.216410443 : f32
        %parallel_loop3A_104 = vector.broadcast %parallel_loop3A_103 : f32 to vector<16xf32>
        %parallel_loop3A_105 = arith.addf %parallel_loop3A_102, %parallel_loop3A_104 : vector<16xf32>
        %parallel_loop3A_106 = arith.mulf %parallel_loop3A_105, %parallel_loop3A_99 : vector<16xf32>
        %parallel_loop3A_107 = arith.constant -0.464072585 : f32
        %parallel_loop3A_108 = vector.broadcast %parallel_loop3A_107 : f32 to vector<16xf32>
        %parallel_loop3A_109 = arith.addf %parallel_loop3A_106, %parallel_loop3A_108 : vector<16xf32>
        %parallel_loop3A_110 = arith.mulf %parallel_loop3A_109, %parallel_loop3A_99 : vector<16xf32>
        %parallel_loop3A_111 = arith.constant 0.99542731 : f32
        %parallel_loop3A_112 = vector.broadcast %parallel_loop3A_111 : f32 to vector<16xf32>
        %parallel_loop3A_113 = arith.addf %parallel_loop3A_110, %parallel_loop3A_112 : vector<16xf32>
        %parallel_loop3A_114 = arith.mulf %parallel_loop3A_113, %parallel_loop3A_99 : vector<16xf32>
        %parallel_loop3A_115 = arith.constant 1.41512181E-4 : f32
        %parallel_loop3A_116 = vector.broadcast %parallel_loop3A_115 : f32 to vector<16xf32>
        %parallel_loop3A_117 = arith.addf %parallel_loop3A_114, %parallel_loop3A_116 : vector<16xf32>
        %parallel_loop3A_118 = arith.constant 0.000000e+00 : f32
        %parallel_loop3A_119 = vector.broadcast %parallel_loop3A_118 : f32 to vector<16xf32>
        %parallel_loop3A_120 = arith.maximumf %parallel_loop3A_88, %parallel_loop3A_119 : vector<16xf32>
        %parallel_loop3A_121 = arith.mulf %parallel_loop3A_88, %parallel_loop3A_94 : vector<16xf32>
        %parallel_loop3A_122 = arith.subf %parallel_loop3A_120, %parallel_loop3A_121 : vector<16xf32>
        %parallel_loop3A_123 = arith.addf %parallel_loop3A_122, %parallel_loop3A_117 : vector<16xf32>
        %parallel_loop3A_124 = arith.constant 0.000000e+00 : f32
        %parallel_loop3A_125 = vector.broadcast %parallel_loop3A_124 : f32 to vector<16xf32>
        %parallel_loop3A_126 = arith.maximumf %parallel_loop3A_123, %parallel_loop3A_125 : vector<16xf32>
        %parallel_loop3A_127 = tpu.bitcast %parallel_loop3A_126 : vector<16xf32> -> vector<16xi32>
        %parallel_loop3A_128 = arith.constant 17 : i32
        %parallel_loop3A_129 = vector.broadcast %parallel_loop3A_128 : i32 to vector<16xi32>
        %parallel_loop3A_130 = arith.shrui %parallel_loop3A_127, %parallel_loop3A_129 : vector<16xi32>
        tpu.vector_store_idx %arg10[%parallel_loop3A_130], %broadcast_in_dim3A_9 {add = true} : memref<32768xi32, #tpu.memory_space<vmem>>[vector<16xi32>], vector<16xi32>,
        tpu.vector_store_idx %arg11[%parallel_loop3A_130], %parallel_loop3A_126 {add = true} : memref<32768xf32, #tpu.memory_space<vmem>>[vector<16xi32>], vector<16xf32>,
      } {sc.loop_unroll_factor = 8 : i64, sc.parallel_access}
      %add3A_73 = arith.constant 1 : i32
      %add3A_74 = arith.addi %add3A_37, %add3A_73 : i32
      %add3A_75 = arith.constant 2 : i32
      %add3A_76 = arith.addi %add3A_74, %add3A_75 : i32
      %lt3A_77 = arith.constant 16 : i32
      %lt3A_78 = arith.cmpi slt, %add3A_76, %lt3A_77 : i32
      %convert_element_type3A_79 = arith.extui %lt3A_78 : i1 to i32
      %cond3A_80 = arith.constant 0 : i32
      %cond3A_81 = arith.cmpi ne, %convert_element_type3A_79, %cond3A_80 : i32
      scf.if %cond3A_81 {
        %add3A_82 = arith.constant 1 : i32
        %add3A_83 = arith.addi %add3A_37, %add3A_82 : i32
        %add3A_84 = arith.constant 2 : i32
        %add3A_85 = arith.addi %add3A_83, %add3A_84 : i32
        %jit3A = arith.constant 4 : i32
        %div3A = arith.divsi %add3A_85, %jit3A : i32
        %sign3A = arith.constant 0 : i32
        %sign3A_86 = arith.cmpi sgt, %add3A_85, %sign3A : i32
        %sign3A_87 = arith.extui %sign3A_86 : i1 to i32
        %sign3A_88 = arith.constant 0 : i32
        %sign3A_89 = arith.cmpi slt, %add3A_85, %sign3A_88 : i32
        %sign3A_90 = arith.extui %sign3A_89 : i1 to i32
        %sign3A_91 = arith.subi %sign3A_87, %sign3A_90 : i32
        %sign3A_92 = arith.constant 0 : i32
        %sign3A_93 = arith.cmpi sgt, %jit3A, %sign3A_92 : i32
        %sign3A_94 = arith.extui %sign3A_93 : i1 to i32
        %sign3A_95 = arith.constant 0 : i32
        %sign3A_96 = arith.cmpi slt, %jit3A, %sign3A_95 : i32
        %sign3A_97 = arith.extui %sign3A_96 : i1 to i32
        %sign3A_98 = arith.subi %sign3A_94, %sign3A_97 : i32
        %ne3A = arith.cmpi ne, %sign3A_91, %sign3A_98 : i32
        %rem3A = arith.remsi %add3A_85, %jit3A : i32
        %ne3A_99 = arith.constant 0 : i32
        %ne3A_100 = arith.cmpi ne, %rem3A, %ne3A_99 : i32
        %and3A = arith.andi %ne3A, %ne3A_100 : i1
        %sub3A = arith.constant 1 : i32
        %sub3A_101 = arith.subi %div3A, %sub3A : i32
        %select_n3A = arith.select %and3A, %sub3A_101, %div3A : i32
        %add3A_102 = arith.addi %mul3A_2, %select_n3A : i32
        %jit3A_103 = arith.constant 4 : i32
        %eq3A = arith.constant 0 : i32
        %eq3A_104 = arith.cmpi eq, %jit3A_103, %eq3A : i32
        %jit3A_105 = arith.constant 1 : i32
        %select_n3A_106 = arith.select %eq3A_104, %jit3A_105, %jit3A_103 : i32
        %rem3A_107 = arith.remsi %add3A_85, %select_n3A_106 : i32
        %ne3A_108 = arith.constant 0 : i32
        %ne3A_109 = arith.cmpi ne, %rem3A_107, %ne3A_108 : i32
        %lt3A_110 = arith.constant 0 : i32
        %lt3A_111 = arith.cmpi slt, %rem3A_107, %lt3A_110 : i32
        %lt3A_112 = arith.constant 0 : i32
        %lt3A_113 = arith.cmpi slt, %select_n3A_106, %lt3A_112 : i32
        %ne3A_114 = arith.xori %lt3A_111, %lt3A_113 : i1
        %and3A_115 = arith.andi %ne3A_114, %ne3A_109 : i1
        %add3A_116 = arith.addi %rem3A_107, %select_n3A_106 : i32
        %select_n3A_117 = arith.select %and3A_115, %add3A_116, %rem3A_107 : i32
        %mul3A_118 = arith.constant 8192 : i32
        %mul3A_119 = arith.muli %select_n3A_117, %mul3A_118 : i32
        %dma_start3A_120 = tpu.memref_slice %arg2[%add3A_102, %mul3A_119] : memref<128x32768xf32, #tpu.memory_space<hbm>> -> memref<1x8192xf32, #tpu.memory_space<hbm>>
        %dma_start3A_121 = tpu.memref_slice %arg2[%add3A_102, %mul3A_119] : memref<128x32768xf32, #tpu.memory_space<hbm>> -> memref<1x8192xf32, #tpu.memory_space<hbm>>
        tpu.enqueue_dma source(%dma_start3A_121 : memref<1x8192xf32, #tpu.memory_space<hbm>>) target(%arg7 : memref<1x8192xf32, #tpu.memory_space<vmem>>) target_semaphore(%arg13 : memref<!tpu.dma_semaphore, #tpu.memory_space<semaphore_mem>>)
        %dma_start3A_122 = tpu.memref_slice %arg3[%add3A_102, %mul3A_119] : memref<128x32768xf32, #tpu.memory_space<hbm>> -> memref<1x8192xf32, #tpu.memory_space<hbm>>
        %dma_start3A_123 = tpu.memref_slice %arg3[%add3A_102, %mul3A_119] : memref<128x32768xf32, #tpu.memory_space<hbm>> -> memref<1x8192xf32, #tpu.memory_space<hbm>>
        tpu.enqueue_dma source(%dma_start3A_123 : memref<1x8192xf32, #tpu.memory_space<hbm>>) target(%arg9 : memref<1x8192xf32, #tpu.memory_space<vmem>>) target_semaphore(%arg15 : memref<!tpu.dma_semaphore, #tpu.memory_space<semaphore_mem>>)
      } else {
      }
    }
    %scan3A_32 = arith.constant 8 : i32
    "tpu.region"() ({
      %run_scoped3A = tpu.sem_alloc : memref<!tpu.dma_semaphore, #tpu.memory_space<semaphore_mem>>
      %dma_start3A_33 = arith.constant 0 : i32
      %dma_start3A_34 = tpu.memref_slice %arg4[%add3A, %dma_start3A_33] : memref<32x32768xi32, #tpu.memory_space<hbm>> -> memref<1x32768xi32, #tpu.memory_space<hbm>>
      %dma_start3A_35 = tpu.memref_squeeze %dma_start3A_34 : memref<1x32768xi32, #tpu.memory_space<hbm>> -> memref<32768xi32, #tpu.memory_space<hbm>>
      %dma_start3A_36 = arith.constant 0 : i32
      %dma_start3A_37 = tpu.memref_slice %arg4[%add3A, %dma_start3A_36] : memref<32x32768xi32, #tpu.memory_space<hbm>> -> memref<1x32768xi32, #tpu.memory_space<hbm>>
      %dma_start3A_38 = tpu.memref_squeeze %dma_start3A_37 : memref<1x32768xi32, #tpu.memory_space<hbm>> -> memref<32768xi32, #tpu.memory_space<hbm>>
      tpu.enqueue_dma source(%arg10 : memref<32768xi32, #tpu.memory_space<vmem>>) target(%dma_start3A_38 : memref<32768xi32, #tpu.memory_space<hbm>>) target_semaphore(%run_scoped3A : memref<!tpu.dma_semaphore, #tpu.memory_space<semaphore_mem>>)
      %dma_wait3A = arith.constant 0 : i32
      %dma_wait3A_39 = tpu.memref_slice %arg4[%add3A, %dma_wait3A] : memref<32x32768xi32, #tpu.memory_space<hbm>> -> memref<1x32768xi32, #tpu.memory_space<hbm>>
      %dma_wait3A_40 = tpu.memref_squeeze %dma_wait3A_39 : memref<1x32768xi32, #tpu.memory_space<hbm>> -> memref<32768xi32, #tpu.memory_space<hbm>>
      %dma_wait3A_41 = arith.constant 0 : i32
      %dma_wait3A_42 = tpu.memref_slice %arg4[%add3A, %dma_wait3A_41] : memref<32x32768xi32, #tpu.memory_space<hbm>> -> memref<1x32768xi32, #tpu.memory_space<hbm>>
      %dma_wait3A_43 = tpu.memref_squeeze %dma_wait3A_42 : memref<1x32768xi32, #tpu.memory_space<hbm>> -> memref<32768xi32, #tpu.memory_space<hbm>>
      tpu.wait_dma2 semaphore(%run_scoped3A : memref<!tpu.dma_semaphore, #tpu.memory_space<semaphore_mem>>) src(%arg10 : memref<32768xi32, #tpu.memory_space<vmem>>) dst(%dma_wait3A_43 : memref<32768xi32, #tpu.memory_space<hbm>>)
      tpu.yield
    }) : () -> ()
    "tpu.region"() ({
      %run_scoped3A = tpu.sem_alloc : memref<!tpu.dma_semaphore, #tpu.memory_space<semaphore_mem>>
      %dma_start3A_33 = arith.constant 0 : i32
      %dma_start3A_34 = tpu.memref_slice %arg5[%add3A, %dma_start3A_33] : memref<32x32768xf32, #tpu.memory_space<hbm>> -> memref<1x32768xf32, #tpu.memory_space<hbm>>
      %dma_start3A_35 = tpu.memref_squeeze %dma_start3A_34 : memref<1x32768xf32, #tpu.memory_space<hbm>> -> memref<32768xf32, #tpu.memory_space<hbm>>
      %dma_start3A_36 = arith.constant 0 : i32
      %dma_start3A_37 = tpu.memref_slice %arg5[%add3A, %dma_start3A_36] : memref<32x32768xf32, #tpu.memory_space<hbm>> -> memref<1x32768xf32, #tpu.memory_space<hbm>>
      %dma_start3A_38 = tpu.memref_squeeze %dma_start3A_37 : memref<1x32768xf32, #tpu.memory_space<hbm>> -> memref<32768xf32, #tpu.memory_space<hbm>>
      tpu.enqueue_dma source(%arg11 : memref<32768xf32, #tpu.memory_space<vmem>>) target(%dma_start3A_38 : memref<32768xf32, #tpu.memory_space<hbm>>) target_semaphore(%run_scoped3A : memref<!tpu.dma_semaphore, #tpu.memory_space<semaphore_mem>>)
      %dma_wait3A = arith.constant 0 : i32
      %dma_wait3A_39 = tpu.memref_slice %arg5[%add3A, %dma_wait3A] : memref<32x32768xf32, #tpu.memory_space<hbm>> -> memref<1x32768xf32, #tpu.memory_space<hbm>>
      %dma_wait3A_40 = tpu.memref_squeeze %dma_wait3A_39 : memref<1x32768xf32, #tpu.memory_space<hbm>> -> memref<32768xf32, #tpu.memory_space<hbm>>
      %dma_wait3A_41 = arith.constant 0 : i32
      %dma_wait3A_42 = tpu.memref_slice %arg5[%add3A, %dma_wait3A_41] : memref<32x32768xf32, #tpu.memory_space<hbm>> -> memref<1x32768xf32, #tpu.memory_space<hbm>>
      %dma_wait3A_43 = tpu.memref_squeeze %dma_wait3A_42 : memref<1x32768xf32, #tpu.memory_space<hbm>> -> memref<32768xf32, #tpu.memory_space<hbm>>
      tpu.wait_dma2 semaphore(%run_scoped3A : memref<!tpu.dma_semaphore, #tpu.memory_space<semaphore_mem>>) src(%arg11 : memref<32768xf32, #tpu.memory_space<vmem>>) dst(%dma_wait3A_43 : memref<32768xf32, #tpu.memory_space<hbm>>)
      tpu.yield
    }) : () -> ()
    return
  }
}

module attributes {stable_mosaic.version = 14 : i64} {
  func.func @_select_body(%arg0: memref<32x256x128xi32, #tpu.memory_space<vmem>>, %arg1: memref<32x256x128xf32, #tpu.memory_space<vmem>>, %arg2: memref<1x1xf32, #tpu.memory_space<vmem>>) attributes {dimension_semantics = [], scalar_prefetch = 0 : i64, scratch_operands = 0 : i64, tpu.core_type = #tpu.core_type<tc>} {
    %get3A = arith.constant 0 : index
    %get3A_0 = arith.constant 0 : index
    %get3A_1 = arith.constant 0 : index
    %get3A_2 = vector.load %arg0[%get3A, %get3A_0, %get3A_1] : memref<32x256x128xi32, #tpu.memory_space<vmem>>, vector<32x256x128xi32>
    %convert_element_type3A = arith.sitofp %get3A_2 : vector<32x256x128xi32> to vector<32x256x128xf32>
    %reduce_sum3A = arith.constant dense<0.000000e+00> : vector<256x128xf32>
    %reduce_sum3A_3 = vector.multi_reduction <add>, %convert_element_type3A, %reduce_sum3A [0] : vector<32x256x128xf32> to vector<256x128xf32>
    %get3A_4 = arith.constant 0 : index
    %get3A_5 = arith.constant 0 : index
    %get3A_6 = arith.constant 0 : index
    %get3A_7 = vector.load %arg1[%get3A_4, %get3A_5, %get3A_6] : memref<32x256x128xf32, #tpu.memory_space<vmem>>, vector<32x256x128xf32>
    %reduce_sum3A_8 = arith.constant dense<0.000000e+00> : vector<256x128xf32>
    %reduce_sum3A_9 = vector.multi_reduction <add>, %get3A_7, %reduce_sum3A_8 [0] : vector<32x256x128xf32> to vector<256x128xf32>
    %iota3A = tpu.iota {dimensions = array<i32: 0>} : vector<128x128xi32>
    %iota3A_10 = tpu.iota {dimensions = array<i32: 1>} : vector<128x128xi32>
    %ge3A = arith.cmpi sge, %iota3A, %iota3A_10 : vector<128x128xi32>
    %convert_element_type3A_11 = arith.extui %ge3A : vector<128x128xi1> to vector<128x128xi32>
    %convert_element_type3A_12 = arith.sitofp %convert_element_type3A_11 : vector<128x128xi32> to vector<128x128xf32>
    %dot_general3A = arith.constant dense<0.000000e+00> : vector<256x128xf32>
    %dot_general3A_13 = tpu.matmul %reduce_sum3A_3, %convert_element_type3A_12, %dot_general3A {dimension_numbers = #tpu.dot_dimension_numbers<[1], [0], [0], [1], [0, 0, 1, 1], [], []>, transpose_lhs_hint = false} : vector<256x128xf32>, vector<128x128xf32>, vector<256x128xf32> -> vector<256x128xf32>
    %iota3A_14 = tpu.iota {dimensions = array<i32: 0>} : vector<256x256xi32>
    %iota3A_15 = tpu.iota {dimensions = array<i32: 1>} : vector<256x256xi32>
    %gt3A = arith.cmpi sgt, %iota3A_15, %iota3A_14 : vector<256x256xi32>
    %convert_element_type3A_16 = arith.extui %gt3A : vector<256x256xi1> to vector<256x256xi32>
    %convert_element_type3A_17 = arith.sitofp %convert_element_type3A_16 : vector<256x256xi32> to vector<256x256xf32>
    %slice3A = vector.extract_strided_slice %dot_general3A_13 {offsets = [0, 0], sizes = [256, 1], strides = [1, 1]} : vector<256x128xf32> to vector<256x1xf32>
    %dot_general3A_18 = arith.constant dense<0.000000e+00> : vector<256x1xf32>
    %dot_general3A_19 = tpu.matmul %convert_element_type3A_17, %slice3A, %dot_general3A_18 {dimension_numbers = #tpu.dot_dimension_numbers<[1], [0], [0], [1], [0, 0, 1, 1], [], []>, transpose_lhs_hint = false} : vector<256x256xf32>, vector<256x1xf32>, vector<256x1xf32> -> vector<256x1xf32>
    %add3A = vector.broadcast %dot_general3A_19 : vector<256x1xf32> to vector<256x128xf32>
    %add3A_20 = arith.addf %dot_general3A_13, %add3A : vector<256x128xf32>
    %iota3A_21 = tpu.iota {dimensions = array<i32: 0>} : vector<256x128xi32>
    %mul3A = arith.constant 128 : i32
    %mul3A_22 = vector.broadcast %mul3A : i32 to vector<256x128xi32>
    %mul3A_23 = arith.muli %iota3A_21, %mul3A_22 : vector<256x128xi32>
    %iota3A_24 = tpu.iota {dimensions = array<i32: 1>} : vector<256x128xi32>
    %add3A_25 = arith.addi %mul3A_23, %iota3A_24 : vector<256x128xi32>
    %ge3A_26 = arith.constant 0x4A333330 : f32
    %ge3A_27 = vector.broadcast %ge3A_26 : f32 to vector<256x128xf32>
    %ge3A_28 = arith.cmpf oge, %add3A_20, %ge3A_27 : vector<256x128xf32>
    %jit3A = arith.constant -1 : i32
    %broadcast_in_dim3A = vector.broadcast %jit3A : i32 to vector<256x128xi32>
    %select_n3A = arith.select %ge3A_28, %add3A_25, %broadcast_in_dim3A : vector<256x128xi1>, vector<256x128xi32>
    %reduce_max3A = vector.shape_cast %select_n3A : vector<256x128xi32> to vector<1x256x128xi32>
    %reduce_max3A_29 = arith.constant dense<-2147483648> : vector<1xi32>
    %reduce_max3A_30 = vector.multi_reduction <maxsi>, %reduce_max3A, %reduce_max3A_29 [1, 2] : vector<1x256x128xi32> to vector<1xi32>
    %reduce_max3A_31 = vector.shape_cast %reduce_max3A_30 : vector<1xi32> to vector<1x1x1xi32>
    %reduce_max3A_32 = vector.extract %reduce_max3A_31[0, 0, 0] : i32 from vector<1x1x1xi32>
    %gt3A_33 = vector.broadcast %reduce_max3A_32 : i32 to vector<256x128xi32>
    %gt3A_34 = arith.cmpi sgt, %add3A_25, %gt3A_33 : vector<256x128xi32>
    %jit3A_35 = arith.constant 0.000000e+00 : f32
    %broadcast_in_dim3A_36 = vector.broadcast %jit3A_35 : f32 to vector<256x128xf32>
    %select_n3A_37 = arith.select %gt3A_34, %reduce_sum3A_3, %broadcast_in_dim3A_36 : vector<256x128xi1>, vector<256x128xf32>
    %reduce_sum3A_38 = vector.shape_cast %select_n3A_37 : vector<256x128xf32> to vector<1x256x128xf32>
    %reduce_sum3A_39 = arith.constant dense<0.000000e+00> : vector<1xf32>
    %reduce_sum3A_40 = vector.multi_reduction <add>, %reduce_sum3A_38, %reduce_sum3A_39 [1, 2] : vector<1x256x128xf32> to vector<1xf32>
    %reduce_sum3A_41 = vector.shape_cast %reduce_sum3A_40 : vector<1xf32> to vector<1x1x1xf32>
    %reduce_sum3A_42 = vector.extract %reduce_sum3A_41[0, 0, 0] : f32 from vector<1x1x1xf32>
    %jit3A_43 = arith.constant 0.000000e+00 : f32
    %broadcast_in_dim3A_44 = vector.broadcast %jit3A_43 : f32 to vector<256x128xf32>
    %select_n3A_45 = arith.select %gt3A_34, %reduce_sum3A_9, %broadcast_in_dim3A_44 : vector<256x128xi1>, vector<256x128xf32>
    %reduce_sum3A_46 = vector.shape_cast %select_n3A_45 : vector<256x128xf32> to vector<1x256x128xf32>
    %reduce_sum3A_47 = arith.constant dense<0.000000e+00> : vector<1xf32>
    %reduce_sum3A_48 = vector.multi_reduction <add>, %reduce_sum3A_46, %reduce_sum3A_47 [1, 2] : vector<1x256x128xf32> to vector<1xf32>
    %reduce_sum3A_49 = vector.shape_cast %reduce_sum3A_48 : vector<1xf32> to vector<1x1x1xf32>
    %reduce_sum3A_50 = vector.extract %reduce_sum3A_49[0, 0, 0] : f32 from vector<1x1x1xf32>
    %eq3A = vector.broadcast %reduce_max3A_32 : i32 to vector<256x128xi32>
    %eq3A_51 = arith.cmpi eq, %add3A_25, %eq3A : vector<256x128xi32>
    %jit3A_52 = arith.constant 0.000000e+00 : f32
    %broadcast_in_dim3A_53 = vector.broadcast %jit3A_52 : f32 to vector<256x128xf32>
    %select_n3A_54 = arith.select %eq3A_51, %reduce_sum3A_3, %broadcast_in_dim3A_53 : vector<256x128xi1>, vector<256x128xf32>
    %reduce_sum3A_55 = vector.shape_cast %select_n3A_54 : vector<256x128xf32> to vector<1x256x128xf32>
    %reduce_sum3A_56 = arith.constant dense<0.000000e+00> : vector<1xf32>
    %reduce_sum3A_57 = vector.multi_reduction <add>, %reduce_sum3A_55, %reduce_sum3A_56 [1, 2] : vector<1x256x128xf32> to vector<1xf32>
    %reduce_sum3A_58 = vector.shape_cast %reduce_sum3A_57 : vector<1xf32> to vector<1x1x1xf32>
    %reduce_sum3A_59 = vector.extract %reduce_sum3A_58[0, 0, 0] : f32 from vector<1x1x1xf32>
    %jit3A_60 = arith.constant 0.000000e+00 : f32
    %broadcast_in_dim3A_61 = vector.broadcast %jit3A_60 : f32 to vector<256x128xf32>
    %select_n3A_62 = arith.select %eq3A_51, %reduce_sum3A_9, %broadcast_in_dim3A_61 : vector<256x128xi1>, vector<256x128xf32>
    %reduce_sum3A_63 = vector.shape_cast %select_n3A_62 : vector<256x128xf32> to vector<1x256x128xf32>
    %reduce_sum3A_64 = arith.constant dense<0.000000e+00> : vector<1xf32>
    %reduce_sum3A_65 = vector.multi_reduction <add>, %reduce_sum3A_63, %reduce_sum3A_64 [1, 2] : vector<1x256x128xf32> to vector<1xf32>
    %reduce_sum3A_66 = vector.shape_cast %reduce_sum3A_65 : vector<1xf32> to vector<1x1x1xf32>
    %reduce_sum3A_67 = vector.extract %reduce_sum3A_66[0, 0, 0] : f32 from vector<1x1x1xf32>
    %sub3A = arith.constant 0x4A333330 : f32
    %sub3A_68 = arith.subf %sub3A, %reduce_sum3A_42 : f32
    %shift_left3A = arith.constant 17 : i32
    %shift_left3A_69 = arith.shli %reduce_max3A_32, %shift_left3A : i32
    %bitcast_convert_type3A = arith.bitcast %shift_left3A_69 : i32 to f32
    %add3A_70 = arith.constant 1 : i32
    %add3A_71 = arith.addi %reduce_max3A_32, %add3A_70 : i32
    %shift_left3A_72 = arith.constant 17 : i32
    %shift_left3A_73 = arith.shli %add3A_71, %shift_left3A_72 : i32
    %bitcast_convert_type3A_74 = arith.bitcast %shift_left3A_73 : i32 to f32
    %sub3A_75 = arith.subf %bitcast_convert_type3A_74, %bitcast_convert_type3A : f32
    %sub3A_76 = arith.subf %reduce_sum3A_59, %sub3A_68 : f32
    %mul3A_77 = arith.mulf %sub3A_76, %sub3A_75 : f32
    %mul3A_78 = arith.constant 2.000000e+00 : f32
    %mul3A_79 = arith.mulf %mul3A_78, %reduce_sum3A_59 : f32
    %div3A = arith.divf %mul3A_77, %mul3A_79 : f32
    %add3A_80 = arith.addf %bitcast_convert_type3A, %div3A : f32
    %mul3A_81 = arith.mulf %sub3A_76, %add3A_80 : f32
    %sub3A_82 = arith.subf %reduce_sum3A_67, %mul3A_81 : f32
    %add3A_83 = arith.addf %reduce_sum3A_50, %sub3A_82 : f32
    %div3A_84 = arith.constant 0x4A333330 : f32
    %div3A_85 = arith.divf %add3A_83, %div3A_84 : f32
    %broadcast_in_dim3A_86 = vector.broadcast %div3A_85 : f32 to vector<1x1xf32>
    %swap3A = arith.constant 0 : index
    %swap3A_87 = arith.constant 0 : index
    %swap3A_88 = vector.load %arg2[%swap3A, %swap3A_87] : memref<1x1xf32, #tpu.memory_space<vmem>>, vector<1x1xf32>
    tpu.vector_store %arg2[%swap3A, %swap3A_87], %broadcast_in_dim3A_86 {strides = array<i32>} : memref<1x1xf32, #tpu.memory_space<vmem>>, vector<1x1xf32>,
    return
  }
}

</mosaic_0001>

<sc_bundles>
// kernel: kernel.4.cloned.1.call-start
scs
__scs_entry_jumppad:
0x0: {  	(pc) =	sbr.rel $0x88, $3  }
0x1: {  	(tag) =	ssettag $0x0;
	lr =	simm.s32 $0x1  }
0x2: {  	[smem:$0x3F9F] =	sst lr;
	_ =	strace $0xD0000000  }
0x3: {  	_ = 	snop  }
0x4: {  	_ = 	snop  }
0x5: {  	_ = 	snop  }
0x6: {  	_ = 	snop  }
0x7: {  	_ = 	snop  }
__scs_overlays_trampoline_lowered:
0x8: {  	[smem:$0x3FAE] =	sst s0  }
0x9: {  	[smem:$0x3FAF] =	sst s1  }
0xa: {  	[smem:$0x3FB0] =	sst s2  }
0xb: {  	[smem:$0x3FB1] =	sst s3  }
0xc: {  	[smem:$0x3FB2] =	sst s4  }
0xd: {  	[smem:$0x3FB3] =	sst s5  }
0xe: {  	[smem:$0x3FB4] =	sst s6  }
0xf: {  	[smem:$0x3FB5] =	sst s7  }
0x10: {  	[smem:$0x3FB6] =	sst s8  }
0x11: {  	[smem:$0x3FB7] =	sst s9;
	s0 =	simm.s32 @!p0 $0x0  }
0x12: {  	s1 =	sld [smem:$0x3F9D];
	s0 =	simm.s32 @p0 $0x1  }
0x13: {  	[smem:$0x3FB8] =	sst s0;
	s0 =	simm.s32 @!p1 $0x0  }
0x14: {  	s2 =	sld [smem:$0x3F9C];
	s0 =	simm.s32 @p1 $0x1  }
0x15: {  	[smem:$0x3FB9] =	sst s0;
	s0 =	simm.s32 @!p2 $0x0  }
0x16: {  	s3 =	sld [smem:$0x3FDB];
	s0 =	simm.s32 @p2 $0x1  }
0x17: {  	s4 =	simm.s32 $0x1BF5;
	[smem:$0x3FBB] =	sst s0  }
0x18: {  	s0 =	sld [smem:$0x3F9E];
	_ =	swait.ge [sflag:s4], $0x0  }
0x19: {  	s7 =	sld [smem:$0x3F9F]  }
0x1a: {  	s8 =	sadd.s32 $0xFFFFE003, lr  }
0x1b: {  	s9 =	sadd.s32 $0xFFFFFEF7, lr;
	s5 =	simm.s32 $0xFFFFFFFF;
	p2 =	slt.u32 s8, $0xFFFFF086  }
0x1c: {  	p1 =	slt.u32 s9, $0xF7A;
	s5 =	simm.s32 @!p2 $0x0  }
0x1d: {  	s5 =	simm.s32 @p1 $0x1;
	p0 =	seq.s32 s7, s2  }
0x1e: {  	s7 =	smul.u32 @!p0 $0xF7A, s2;
	p2 =	seq.s32 @!p0 s5, $0x0  }
0x1f: {  	s9 =	smul.u32 $0xF7A, s1;
	s8 =	simm.s32 @!p0 $0x1BF5;
	p2 =	por !p2, p0  }
0x20: {  	[sflag:s8] =	ssyncset.s32 @!p0 $0xFFFFF086;
	s6 =	sadd.s32 @!p0 s3, s7;
	s7 =	simm.s32 @!p0 $0x108  }
0x21: {  	s3 =	sadd.s32 s3, s9;
	s6 =	sadd.s32 @!p0 $0x88, s6;
	s7 =	simm.s32 @p2 $0x1082  }
0x22: {  	[simem:s7], [sflag:s8] =	dma.local @!p0 [hbm:s6], $0xF7A  }
0x23: {  	s9 =	sor.u32 $0xD0000000, s2;
	s6 =	simm.s32 $0x108;
	_ =	swait.ge @!p0 [sflag:s8], $0x0  }
0x24: {  	s3 =	sadd.s32 $0x88, s3;
	s6 =	simm.s32 @!p1 $0x1082;
	[sflag:s4] =	ssyncset.s32 $0xFFFFF086  }
0x25: {  	[simem:s6], [sflag:s4] =	dma.local [hbm:s3], $0xF7A  }
0x26: {  	[smem:$0x3F9F] =	sst s1;
	(tag) =	ssettag s2;
	_ =	strace s9  }
0x27: {  	s1 =	sld [smem:$0x3FAF]  }
0x28: {  	s2 =	sld [smem:$0x3FB0]  }
0x29: {  	s4 =	sld [smem:$0x3FB2]  }
0x2a: {  	p0 =	seq.s32 s5, $0x0;
	s5 =	sld [smem:$0x3FB3]  }
0x2b: {  	s6 =	sld [smem:$0x3FB4]  }
0x2c: {  	s7 =	sld [smem:$0x3FB5]  }
0x2d: {  	s3 =	simm.s32 $0x108;
	s8 =	sld [smem:$0x3FB6]  }
0x2e: {  	s3 =	simm.s32 @!p0 $0x1082;
	s9 =	sld [smem:$0x3FB7]  }
0x2f: {  	lr =	sadd.s32 s0, s3;
	s0 =	sld [smem:$0x3FAE]  }
0x30: {  	s3 =	sld [smem:$0x3FB1]  }
0x31: {  	[smem:$0x3FBA] =	sst s10  }
0x32: {  	s10 =	sld [smem:$0x3FB8];
	_ =	sdelay $0x3  }
0x33: {  	p0 =	seq.s32 s10, $0x1;
	s10 =	sld [smem:$0x3FBA];
	_ =	sdelay $0x3  }
0x34: {  	[smem:$0x3FBA] =	sst s10  }
0x35: {  	s10 =	sld [smem:$0x3FB9];
	_ =	sdelay $0x3  }
0x36: {  	p1 =	seq.s32 s10, $0x1;
	s10 =	sld [smem:$0x3FBA];
	_ =	sdelay $0x3  }
0x37: {  	[smem:$0x3FBA] =	sst s10  }
0x38: {  	s10 =	sld [smem:$0x3FBB]  }
0x39: {  	_ = 	snop;
	(pc) =	sbr.ind lr, $3  }
0x3a: {  	_ = 	snop  }
0x3b: {  	_ = 	snop  }
0x3c: {  	p2 =	seq.s32 s10, $0x1;
	s10 =	sld [smem:$0x3FBA]  }
0x3d: {  	_ =	shalt  }
0x3e: {  	_ =	shalt  }
0x3f: {  	_ =	shalt  }
0x40: {  	_ =	shalt  }
0x41: {  	_ =	shalt  }
0x42: {  	_ =	shalt  }
0x43: {  	_ =	shalt  }
0x44: {  	_ =	shalt  }
0x45: {  	_ =	shalt  }
0x46: {  	_ =	shalt  }
0x47: {  	_ =	shalt  }
0x48: {  	_ =	shalt  }
0x49: {  	_ =	shalt  }
0x4a: {  	_ =	shalt  }
0x4b: {  	_ =	shalt  }
0x4c: {  	_ =	shalt  }
0x4d: {  	_ =	shalt  }
0x4e: {  	_ =	shalt  }
0x4f: {  	_ =	shalt  }
0x50: {  	_ =	shalt  }
0x51: {  	_ =	shalt  }
0x52: {  	_ =	shalt  }
0x53: {  	_ =	shalt  }
0x54: {  	_ =	shalt  }
0x55: {  	_ =	shalt  }
0x56: {  	_ =	shalt  }
0x57: {  	_ =	shalt  }
0x58: {  	_ =	shalt  }
0x59: {  	_ =	shalt  }
0x5a: {  	_ =	shalt  }
0x5b: {  	_ =	shalt  }
0x5c: {  	_ =	shalt  }
0x5d: {  	_ =	shalt  }
0x5e: {  	_ =	shalt  }
0x5f: {  	_ =	shalt  }
0x60: {  	_ =	shalt  }
0x61: {  	_ =	shalt  }
0x62: {  	_ =	shalt  }
0x63: {  	_ =	shalt  }
0x64: {  	_ =	shalt  }
0x65: {  	_ =	shalt  }
0x66: {  	_ =	shalt  }
0x67: {  	_ =	shalt  }
0x68: {  	_ =	shalt  }
0x69: {  	_ =	shalt  }
0x6a: {  	_ =	shalt  }
0x6b: {  	_ =	shalt  }
0x6c: {  	_ =	shalt  }
0x6d: {  	_ =	shalt  }
0x6e: {  	_ =	shalt  }
0x6f: {  	_ =	shalt  }
0x70: {  	_ =	shalt  }
0x71: {  	_ =	shalt  }
0x72: {  	_ =	shalt  }
0x73: {  	_ =	shalt  }
0x74: {  	_ =	shalt  }
0x75: {  	_ =	shalt  }
0x76: {  	_ =	shalt  }
0x77: {  	_ =	shalt  }
0x78: {  	_ =	shalt  }
0x79: {  	_ =	shalt  }
0x7a: {  	_ =	shalt  }
0x7b: {  	_ =	shalt  }
0x7c: {  	_ =	shalt  }
0x7d: {  	_ =	shalt  }
0x7e: {  	_ =	shalt  }
0x7f: {  	_ =	shalt  }
0x80: {  	_ =	shalt  }
0x81: {  	_ =	shalt  }
0x82: {  	_ =	shalt  }
0x83: {  	_ =	shalt  }
0x84: {  	_ =	shalt  }
0x85: {  	_ =	shalt  }
0x86: {  	_ =	shalt  }
0x87: {  	_ =	shalt  }
.Lfunc_end0:
.L_simem_size_0:
called_computation_lowered:
.L_overlay_start_0:
0x88: {  	s2 =	sld [smem:$0x3FD9]  }
0x89: {  	s3 =	sld [smem:$0x3FFE];
	_ =	sdelay $0x1  }
0x8a: {  	s1 =	srdreg.scid  }
0x8b: {  	s0 =	sand.u32 $0x1, s1  }
0x8c: {  	s17 =	sshll.u32 s0, $0xA;
	s2 =	sadd.s32 s3, s2  }
0x8d: {  	s2 =	sadd.s32 s2, s17  }
0x8e: {  	[smem:$0x3FC6] =	sst s2  }
0x8f: {  	_ = 	snop  }
0x90: {  	s2 =	sld [smem:$0x3FC9]  }
0x91: {  	s18 =	sld [smem:$0x3FC8];
	(tm) =	ssettm $0x1  }
0x92: {  	s4 =	sld [smem:$0x3FFB];
	_ =	sdelay $0x3  }
0x93: {  	_ =	strace s4  }
0x94: {  	s4 =	sld [smem:$0x3FFC];
	_ =	sdelay $0x3  }
0x95: {  	_ =	strace s4  }
0x96: {  	s4 =	sld [smem:$0x3FFD];
	_ =	sdelay $0x3  }
0x97: {  	_ =	strace s4  }
0x98: {  	_ =	strace $0x8FFFFFFF  }
0x99: {  	s19 =	sld [smem:$0x3FDB];
	_ =	sdelay $0x1  }
0x9a: {  	s5 =	simm.s32 $_scs_section_size  }
0x9b: {  	s6 =	simm.s32 $_size__tile_overlayer_lowered;
	s7 =	simm.s32 $_tile_overlayer_lowered  }
0x9c: {  	s22 =	simm.s32 $0x1BFF;
	s21 =	sshll.u32 s7, $0x1;
	s4 =	sadd.s32 s5, s19  }
0x9d: {  	s8 =	simm.s32 $0x0;
	s20 =	sshll.u32 s6, $0x1;
	s6 =	sadd.s32 s21, s4  }
0x9e: {  	[timem:s8], [sflag:s22] =	dma.local [hbm:s6], s20  }
0x9f: {  	_ =	swait.ge [sflag:s22], s20  }
0xa0: {  	s5 =	ssub.s32 $0x0, s20;
	[sflag:s22] =	ssyncset.done $0x0  }
0xa1: {  	[sflag:s22] =	ssyncadd.s32 s5;
	_ =	sdelay $0x1  }
0xa2: {  	s23 =	simm.s32 $0x1B8B  }
0xa3: {  	_ =	swait.ge [sflag:s23], $0x1  }
0xa4: {  	[sflag:s23] =	ssyncset.done $0x0  }
0xa5: {  	s25 =	simm.s32 $0x1B8E;
	s24 =	sld [smem:$0x3FFE];
	[sflag:s23] =	ssyncadd.s32 $0xFFFFFFFF  }
0xa6: {  	s26 =	simm.s32 $execute0_lowered;
	[smem:$0x3FD2] =	sst s25  }
0xa7: {  	s6 =	sshll.u32 s26, $0x1;
	_ =	strace $0x80000046;
	[dreg:$0x1] =	wrdreg $0xFFFFFFFF  }
0xa8: {  	s28 =	simm.s32 $_size_execute0_lowered;
	s4 =	sadd.s32 s4, s6;
	[dreg:$0x0] =	wrdreg $0x0  }
0xa9: {  	s6 =	sshll.u32 s28, $0x1;
	[dreg:$0x2] =	wrdreg s4  }
0xaa: {  	[dreg:$0x3] =	wrdreg s6  }
0xab: {  	[dreg:$0x4] =	wrdreg $0xC0  }
0xac: {  	_ =	task [dreg:s8], $0x5FFFF  }
0xad: {  	[dreg:$0x1] =	wrdreg $0xFFFFFFFF  }
0xae: {  	[dreg:$0x0] =	wrdreg $0x60  }
0xaf: {  	[dreg:$0x2] =	wrdreg s2  }
0xb0: {  	[dreg:$0x3] =	wrdreg s18  }
0xb1: {  	[dreg:$0x4] =	wrdreg s24  }
0xb2: {  	[dreg:$0x5] =	wrdreg $0x9  }
0xb3: {  	_ =	task.clear_ibuf [dreg:s8], $0x6FFFF;
	_ =	strace $0x90000046  }
0xb4: {  	s29 =	simm.s32 $0x9;
	_ =	strace $0x80000048  }
0xb5: {  	_ =	swait.ge [sflag:s29], $0x1  }
0xb6: {  	[sflag:s29] =	ssyncadd.s32 $0xFFFFFFFF  }
0xb7: {  	_ =	strace $0x90000048  }
0xb8: {  	_ =	sfence  }
0xb9: {  	s30 =	sld [smem:$0x0];
	_ =	sdelay $0x2  }
0xba: {  	s31 =	sshll.u32 s1, $0xD;
	s1 =	sshrl.u32 s1, $0x2  }
0xbb: {  	s3 =	sand.u32 $0x4000, s31;
	s1 =	sadd.s32 s1, s30  }
0xbc: {  	s0 =	sor.u32 s3, s0;
	s1 =	sshll.u32 s1, $0x11  }
0xbd: {  	s0 =	sor.u32 s1, s0  }
0xbe: {  	s0 =	sadd.s32 $0x8F2B, s0  }
0xbf: {  	[sflag:s0] =	ssyncadd.remote.s32 $0x1  }
0xc0: {  	_ =	sfence.sel $0xFFFF  }
0xc1: {  	[dreg:$0x0] =	wrdreg $0xFFFFFFFF;
	(pc) =	sbr.abs _section_cstart, $3  }
0xc2: {  	[dreg:$0x1] =	wrdreg $0xFFFFFFFF  }
0xc3: {  	_ =	task.clear_ibuf [dreg:s8], $0x2FFFF;
	_ =	strace $0x9FFFFFFF  }
0xc4: {  	(tm) =	ssettm $0x7FFFFFFF  }
0xc5: {  	_ =	shalt  }
tec
execute0_lowered:
.L_overlay_start_1:
0x0: {  	(tag) =	ssettag $0x1  }
0x1: {  	s1 =	rddreg [dreg:$0x0]  }
0x2: {  	s3 =	rddreg [dreg:$0x1];
	s2 =	srdreg.scid  }
0x3: {  	s0 =	stileid.u32;
	s5 =	rddreg [dreg:$0x2]  }
0x4: {  	s14 =	simm.s32 $0x400;
	s15 =	simm.s32 $0x4000;
	s16 =	simm.s32 $0x2000  }
0x5: {  	s17 =	simm.s32 $0x6000;
	s18 =	simm.s32 $0x1;
	s19 =	simm.s32 $0x3  }
0x6: {  	s20 =	simm.s32 $0x8000;
	s21 =	simm.s32 $0x10000;
	s22 =	simm.s32 $0x2  }
0x7: {  	s23 =	simm.s32 $0x4;
	s24 =	simm.s32 $0x5;
	s6 =	sand.u32 $0x1, s2  }
0x8: {  	s4 =	sshll.u32 s0, $0x1;
	s8 =	sshll.u32 s0, $0xD;
	s11 =	sshll.u32 s0, $0xF  }
0x9: {  	s7 =	sor.u32 s6, s4;
	s4 =	simm.s32 $0x0;
	s29 =	ssub.s32 $0x2, s6  }
0xa: {  	s6 =	sshll.u32 s6, $0x6;
	s9 =	sshll.u32 s7, $0x4;
	[smem:$0x7FF] =	sst s4  }
0xb: {  	s10 =	sshrl.u32 s29, $0x1;
	s30 =	sor.u32 s6, s11;
	s8 =	sor.u32 s8, s9  }
.Ltmp0:
0xc: {  	_ =	strace $0x80000047;
	s13 =	ssub.s32 s29, s10;
	(pc) =	sbr.rel .LBB2_1-.Ltmp0, $4  }
0xd: {  	s6 =	sadd.s32 s1, s30;
	s31 =	sor.u32 $0x2000, s30;
	s8 =	sand.u32 $0x18070, s8  }
0xe: {  	s9 =	sadd.s32 s3, s31;
	s12 =	sadd.s32 s8, s5;
	s5 =	sshll.u32 s7, $0x2  }
0xf: {  	s7 =	sadd.s32 s3, s30;
	s8 =	sadd.s32 s1, s31;
	s10 =	sadd.s32 $0xA00, s12  }
0x10: {  	v0 =	vimm.s32 $0x0;
	v1 =	vimm.f32 $0.0e+00;
	v2 =	vimm.s32 $0x1;
	s11 =	sadd.s32 $0x20A00, s12;
	s12 =	smax.u32 s13, $0x1;
	s13 =	simm.s32 $0x80  }
.LBB2_10:
0x11: {  	[hbm4b:s10+s13] =	stream.strided.scatter [tilespmem:s20], [sflag:$0x5], $0x8000, s14, s13, $0x38;
	[tilespmem:$0x18000] =	vst v63  }
0x12: {  	s4 =	sadd.s32 $0x1, s4;
	_ =	swait.ge [sflag:s24], $0x8000  }
0x13: {  	p0 =	sne.s32 s4, s12;
	[sflag:s24] =	ssyncset.done $0x0  }
.Ltmp1:
0x14: {  	[sflag:s24] =	ssyncadd.s32 $0xFFFF8000;
	(pc) =	sbr.rel @!p0 .LBB2_11-.Ltmp1, $4  }
0x15: {  	[hbm4b:s11+s13] =	stream.strided.scatter [tilespmem:s21], [sflag:$0x5], $0x8000, s14, s13, $0x38;
	[tilespmem:$0x18000] =	vst v63  }
0x16: {  	_ =	swait.ge [sflag:s24], $0x8000  }
0x17: {  	[sflag:s24] =	ssyncset.done $0x0  }
0x18: {  	[sflag:s24] =	ssyncadd.s32 $0xFFFF8000  }
.LBB2_1:
0x19: {  	s25 =	simm.s32 $0x8040  }
0x1a: {  	[tilespmem:s25+$0x30] =	vst v0  }
0x1b: {  	[tilespmem:s25+$0xFFFFFFF0] =	vst v0  }
0x1c: {  	[tilespmem:s25+$0xFFFFFFC0] =	vst v0  }
0x1d: {  	[tilespmem:s25+$0xFFFFFFE0] =	vst v0  }
0x1e: {  	[tilespmem:s25+$0x10] =	vst v0  }
0x1f: {  	[tilespmem:s25+$0x20] =	vst v0  }
0x20: {  	[tilespmem:s25+$0x0] =	vst v0  }
0x21: {  	s26 =	simm.s32 $0x10040;
	[tilespmem:s25+$0xFFFFFFD0] =	vst v0  }
0x22: {  	[tilespmem:s26+$0xFFFFFFC0] =	vst v1  }
0x23: {  	[tilespmem:s26+$0x30] =	vst v1  }
0x24: {  	[tilespmem:s26+$0x20] =	vst v1  }
0x25: {  	[tilespmem:s26+$0x10] =	vst v1  }
0x26: {  	[tilespmem:s26+$0xFFFFFFE0] =	vst v1  }
0x27: {  	[tilespmem:s26+$0x0] =	vst v1  }
0x28: {  	s28 =	simm.s32 $0x0;
	[tilespmem:s26+$0xFFFFFFF0] =	vst v1  }
.LBB2_2:
0x29: {  	s28 =	sadd.s32 $0x8, s28;
	[tilespmem:s26+$0xFFFFFFD0] =	vst v1;
	s25 =	sadd.s32 $0x80, s25;
	s26 =	sadd.s32 $0x80, s26  }
0x2a: {  	[tilespmem:s25+$0x30] =	vst v0;
	p0 =	slt.u32 s28, $0x7F8  }
0x2b: {  	[tilespmem:s25+$0xFFFFFFF0] =	vst v0  }
0x2c: {  	[tilespmem:s25+$0xFFFFFFC0] =	vst v0  }
0x2d: {  	[tilespmem:s26+$0xFFFFFFC0] =	vst v1  }
0x2e: {  	[tilespmem:s26+$0x30] =	vst v1  }
0x2f: {  	[tilespmem:s25+$0xFFFFFFE0] =	vst v0  }
0x30: {  	[tilespmem:s25+$0x10] =	vst v0  }
0x31: {  	[tilespmem:s25+$0x20] =	vst v0  }
0x32: {  	[tilespmem:s26+$0x20] =	vst v1  }
0x33: {  	[tilespmem:s26+$0x10] =	vst v1  }
.Ltmp2:
0x34: {  	[tilespmem:s26+$0xFFFFFFE0] =	vst v1;
	(pc) =	sbr.rel @p0 .LBB2_2-.Ltmp2, $4  }
0x35: {  	[tilespmem:s25+$0x0] =	vst v0  }
0x36: {  	[tilespmem:s26+$0x0] =	vst v1  }
0x37: {  	[tilespmem:s26+$0xFFFFFFF0] =	vst v1  }
0x38: {  	[tilespmem:s25+$0xFFFFFFD0] =	vst v0  }
0x39: {  	[tilespmem:s26+$0xFFFFFFD0] =	vst v1;
	s25 =	simm.s32 $0x0  }
0x3a: {  	[tilespmem:s25], [sflag:$0x1] =	stream.strided.gather [hbm4b:s6+s13], $0x2000, s14, s13, $0x38;
	[tilespmem:$0x18000] =	vst v63  }
0x3b: {  	_ = 	snop  }
0x3c: {  	[tilespmem:s15], [sflag:$0x3] =	stream.strided.gather [hbm4b:s7+s13], $0x2000, s14, s13, $0x38;
	[tilespmem:$0x18000] =	vst v63  }
0x3d: {  	_ = 	snop  }
0x3e: {  	[tilespmem:s16], [sflag:$0x2] =	stream.strided.gather [hbm4b:s8+s13], $0x2000, s14, s13, $0x38;
	[tilespmem:$0x18000] =	vst v63  }
0x3f: {  	_ = 	snop  }
0x40: {  	[tilespmem:s17], [sflag:$0x4] =	stream.strided.gather [hbm4b:s9+s13], $0x2000, s14, s13, $0x38;
	[tilespmem:$0x18000] =	vst v63  }
.LBB2_4:
0x41: {  	_ =	swait.ge [sflag:s18], $0x2000  }
0x42: {  	[sflag:s18] =	ssyncset.done $0x0  }
0x43: {  	[sflag:s18] =	ssyncadd.s32 $0xFFFFE000  }
0x44: {  	_ =	swait.ge [sflag:s19], $0x2000  }
0x45: {  	[sflag:s19] =	ssyncset.done $0x0  }
0x46: {  	s26 =	simm.s32 $0x40;
	[sflag:s19] =	ssyncadd.s32 $0xFFFFE000  }
0x47: {  	v8 =	vld [tilespmem:s26+$0x30];
	_ =	sdelay $0x1  }
0x48: {  	v9 =	vld [tilespmem:s26+$0xFFFFFFD0]  }
0x49: {  	v6 =	vld [tilespmem:s26+$0xFFFFFFE0]  }
0x4a: {  	v4 =	vld [tilespmem:s26+$0x0]  }
0x4b: {  	v7 =	vld [tilespmem:s26+$0xFFFFFFF0];
	v3 =	vand.u32 $0x7FFFFFFF, v8  }
0x4c: {  	v10 =	vld [tilespmem:s26+$0xFFFFFFC0];
	v5 =	vsub.f32 $0.0e+00, v3  }
0x4d: {  	v3 =	vld [tilespmem:s26+$0x10]  }
0x4e: {  	v11 =	vand.u32 $0x7FFFFFFF, v9;
	v12 =	vmul.f32 $1.442695020e+00, v5  }
0x4f: {  	v13 =	vand.u32 $0x7FFFFFFF, v6;
	v14 =	vand.u32 $0x7FFFFFFF, v4;
	v11 =	vsub.f32 $0.0e+00, v11  }
0x50: {  	v13 =	vsub.f32 $0.0e+00, v13;
	(erf) = vpow2.f32 v12;
	v12 =	vand.u32 $0x7FFFFFFF, v7  }
0x51: {  	v15 =	vand.u32 $0x7FFFFFFF, v10;
	v5 =	vld [tilespmem:s26+$0x20];
	v11 =	vmul.f32 $1.442695020e+00, v11;
	v12 =	vsub.f32 $0.0e+00, v12  }
0x52: {  	v15 =	vsub.f32 $0.0e+00, v15;
	v13 =	vmul.f32 $1.442695020e+00, v13;
	v16 =	vand.u32 $0x7FFFFFFF, v3  }
0x53: {  	(erf) = vpow2.f32 v11;
	v16 =	vsub.f32 $0.0e+00, v16;
	v12 =	vmul.f32 $1.442695020e+00, v12  }
0x54: {  	v14 =	vsub.f32 $0.0e+00, v14;
	v15 =	vmul.f32 $1.442695020e+00, v15;
	(erf) = vpow2.f32 v13  }
0x55: {  	s30 =	simm.s32 $0x4040;
	(erf) = vpow2.f32 v12;
	v12 =	vmul.f32 $1.442695020e+00, v16  }
0x56: {  	v53 =	vld [tilespmem:s30+$0xFFFFFFF0];
	v13 =	vmul.f32 $1.442695020e+00, v14;
	v11 =	vand.u32 $0x7FFFFFFF, v5  }
0x57: {  	v52 =	vld [tilespmem:s30+$0xFFFFFFE0];
	v11 =	vsub.f32 $0.0e+00, v11;
	(erf) = vpow2.f32 v15  }
0x58: {  	(erf) = vpow2.f32 v13  }
0x59: {  	v11 =	vmul.f32 $1.442695020e+00, v11;
	(erf) = vpow2.f32 v12;
	v12 =	vpop (erf)  }
0x5a: {  	v35 =	vld [tilespmem:s30+$0xFFFFFFC0];
	v20 =	vmax.f32 v7, $0.0e+00;
	v21 =	vmax.f32 v4, $0.0e+00;
	v13 =	vmul.f32 $5.486285310e-02, v12  }
0x5b: {  	v7 =	vmul.f32 v53, v7;
	v22 =	vmax.f32 v3, $0.0e+00;
	(erf) = vpow2.f32 v11  }
0x5c: {  	v14 =	vmax.f32 v6, $0.0e+00;
	v6 =	vmul.f32 v52, v6;
	v16 =	vpop (erf);
	v11 =	vsub.f32 $2.164104430e-01, v13  }
0x5d: {  	v20 =	vsub.f32 v20, v7;
	v24 =	vmax.f32 v5, $0.0e+00;
	v17 =	vpop (erf);
	v18 =	vmul.f32 $5.486285310e-02, v16  }
0x5e: {  	v14 =	vsub.f32 v14, v6;
	v19 =	vmul.f32 $5.486285310e-02, v17;
	v11 =	vmul.f32 v11, v12  }
0x5f: {  	v15 =	vmax.f32 v10, $0.0e+00;
	v10 =	vmul.f32 v35, v10;
	v18 =	vsub.f32 $2.164104430e-01, v18;
	v23 =	vpop (erf)  }
0x60: {  	v19 =	vsub.f32 $2.164104430e-01, v19;
	v25 =	vmul.f32 $5.486285310e-02, v23;
	v26 =	vpop (erf);
	v11 =	vadd.f32 $-4.640725850e-01, v11  }
0x61: {  	v15 =	vsub.f32 v15, v10;
	v18 =	vmul.f32 v18, v16;
	v27 =	vmul.f32 $5.486285310e-02, v26  }
0x62: {  	v28 =	vld [tilespmem:s30+$0x30];
	v13 =	vmax.f32 v9, $0.0e+00;
	v29 =	vpop (erf);
	v19 =	vmul.f32 v19, v17;
	v11 =	vmul.f32 v11, v12  }
0x63: {  	v25 =	vsub.f32 $2.164104430e-01, v25;
	v30 =	vmul.f32 $5.486285310e-02, v29;
	v31 =	vpop (erf);
	v18 =	vadd.f32 $-4.640725850e-01, v18  }
0x64: {  	v27 =	vsub.f32 $2.164104430e-01, v27;
	v32 =	vmul.f32 $5.486285310e-02, v31;
	v33 =	vpop (erf);
	v11 =	vadd.f32 $9.954273100e-01, v11  }
0x65: {  	v51 =	vadd.f32 $-4.640725850e-01, v19;
	v34 =	vmul.f32 $5.486285310e-02, v33;
	v25 =	vmul.f32 v25, v23  }
0x66: {  	v30 =	vsub.f32 $2.164104430e-01, v30;
	v18 =	vmul.f32 v18, v16;
	v11 =	vmul.f32 v11, v12  }
0x67: {  	v27 =	vmul.f32 v27, v26;
	v32 =	vsub.f32 $2.164104430e-01, v32;
	v12 =	vmul.f32 v28, v8  }
0x68: {  	v34 =	vsub.f32 $2.164104430e-01, v34;
	v8 =	vmax.f32 v8, $0.0e+00;
	v11 =	vadd.f32 $1.415121810e-04, v11  }
0x69: {  	v28 =	vmul.f32 v30, v29;
	v8 =	vsub.f32 v8, v12;
	v12 =	vadd.f32 $-4.640725850e-01, v27  }
0x6a: {  	v18 =	vadd.f32 $9.954273100e-01, v18;
	v30 =	vmul.f32 v32, v31;
	v27 =	vmul.f32 v34, v33  }
0x6b: {  	v8 =	vadd.f32 v11, v8;
	v11 =	vmul.f32 v12, v26;
	v12 =	vadd.f32 $-4.640725850e-01, v25  }
0x6c: {  	v16 =	vmul.f32 v18, v16;
	v25 =	vadd.f32 $-4.640725850e-01, v28;
	v28 =	vadd.f32 $-4.640725850e-01, v30;
	v30 =	vld [tilespmem:s30+$0xFFFFFFD0]  }
0x6d: {  	v27 =	vadd.f32 $-4.640725850e-01, v27;
	v19 =	vmax.f32 v8, $0.0e+00;
	v8 =	vmul.f32 v51, v17  }
0x6e: {  	v11 =	vadd.f32 $9.954273100e-01, v11;
	v12 =	vmul.f32 v12, v23;
	v25 =	vmul.f32 v25, v29  }
0x6f: {  	v28 =	vmul.f32 v28, v31;
	v27 =	vmul.f32 v27, v33;
	v8 =	vadd.f32 $9.954273100e-01, v8  }
0x70: {  	v18 =	vld [tilespmem:s30+$0x0];
	v11 =	vmul.f32 v11, v26;
	v12 =	vadd.f32 $9.954273100e-01, v12;
	v25 =	vadd.f32 $9.954273100e-01, v25  }
0x71: {  	v26 =	vadd.f32 $9.954273100e-01, v28;
	v28 =	vld [tilespmem:s30+$0x10];
	v9 =	vmul.f32 v30, v9;
	v8 =	vmul.f32 v8, v17  }
0x72: {  	s31 =	simm.s32 $0xC0;
	v12 =	vmul.f32 v12, v23;
	v17 =	vadd.f32 $9.954273100e-01, v27;
	v23 =	vadd.f32 $1.415121810e-04, v11  }
0x73: {  	v25 =	vmul.f32 v25, v29;
	v26 =	vmul.f32 v26, v31;
	v27 =	vadd.f32 $1.415121810e-04, v16;
	v31 =	vld [tilespmem:s31+$0x30]  }
0x74: {  	v11 =	vld [tilespmem:s30+$0x20];
	v29 =	vmul.f32 v17, v33;
	v30 =	vadd.f32 $1.415121810e-04, v8;
	v12 =	vadd.f32 $1.415121810e-04, v12  }
0x75: {  	v16 =	vld [tilespmem:s31+$0xFFFFFFE0];
	v8 =	vmul.f32 v18, v4;
	v25 =	vadd.f32 $1.415121810e-04, v25;
	v26 =	vadd.f32 $1.415121810e-04, v26  }
0x76: {  	v17 =	vld [tilespmem:s31+$0xFFFFFFD0];
	v15 =	vadd.f32 v23, v15;
	v3 =	vmul.f32 v28, v3;
	v28 =	vadd.f32 $1.415121810e-04, v29  }
0x77: {  	v54 =	vshrl.u32 v19, $0x11;
	v18 =	vld [tilespmem:s31+$0xFFFFFFF0];
	v29 =	vsub.f32 v13, v9;
	v21 =	vsub.f32 v21, v8  }
0x78: {  	v4 =	vld [tilespmem:s31+$0x0];
	v14 =	vadd.f32 v30, v14;
	v12 =	vadd.f32 v12, v20;
	v7 =	vand.u32 $0x7FFFFFFF, v31  }
0x79: {  	v33 =	vld [tilespmem:s31+$0xFFFFFFC0];
	v10 =	vmul.f32 v11, v5;
	v22 =	vsub.f32 v22, v3;
	v9 =	vsub.f32 $0.0e+00, v7  }
0x7a: {  	v7 =	vmax.f32 v16, $0.0e+00;
	v23 =	vadd.f32 v27, v29;
	v20 =	vadd.f32 v25, v21  }
0x7b: {  	v25 =	vmax.f32 v15, $0.0e+00;
	v24 =	vsub.f32 v24, v10;
	v8 =	vand.u32 $0x7FFFFFFF, v17  }
0x7c: {  	v5 =	vld [tilespmem:s31+$0x10];
	v6 =	vmax.f32 v17, $0.0e+00;
	v10 =	vand.u32 $0x7FFFFFFF, v16;
	v9 =	vmul.f32 $1.442695020e+00, v9  }
0x7d: {  	v11 =	vand.u32 $0x7FFFFFFF, v18;
	v13 =	vand.u32 $0x7FFFFFFF, v4;
	v8 =	vsub.f32 $0.0e+00, v8  }
0x7e: {  	v3 =	vld [tilespmem:s31+$0x20];
	v57 =	vand.u32 $0x7FFFFFFF, v33;
	v10 =	vsub.f32 $0.0e+00, v10;
	(erf) = vpow2.f32 v9  }
0x7f: {  	v22 =	vadd.f32 v26, v22;
	v11 =	vsub.f32 $0.0e+00, v11;
	v8 =	vmul.f32 $1.442695020e+00, v8  }
0x80: {  	v13 =	vsub.f32 $0.0e+00, v13;
	v58 =	vsub.f32 $0.0e+00, v57;
	v9 =	vmul.f32 $1.442695020e+00, v10  }
0x81: {  	v55 =	vand.u32 $0x7FFFFFFF, v5;
	v36 =	vmul.f32 $1.442695020e+00, v11;
	(erf) = vpow2.f32 v8  }
0x82: {  	v34 =	vmul.f32 $1.442695020e+00, v58;
	v10 =	vsub.f32 $0.0e+00, v55;
	(erf) = vpow2.f32 v9  }
0x83: {  	v56 =	vand.u32 $0x7FFFFFFF, v3;
	v59 =	vmul.f32 $1.442695020e+00, v13;
	(erf) = vpow2.f32 v36  }
0x84: {  	v11 =	vsub.f32 $0.0e+00, v56;
	v37 =	vmul.f32 $1.442695020e+00, v10;
	(erf) = vpow2.f32 v34  }
0x85: {  	v60 =	vshrl.u32 v25, $0x11;
	v26 =	vmax.f32 v23, $0.0e+00;
	(erf) = vpow2.f32 v59  }
0x86: {  	v15 =	vmax.f32 v20, $0.0e+00;
	v38 =	vmul.f32 $1.442695020e+00, v11;
	(erf) = vpow2.f32 v37  }
0x87: {  	v23 =	vadd.f32 v28, v24;
	v24 =	vmax.f32 v14, $0.0e+00;
	v28 =	vmax.f32 v12, $0.0e+00;
	v27 =	vpop (erf)  }
0x88: {  	v14 =	vmax.f32 v22, $0.0e+00;
	(erf) = vpow2.f32 v38;
	v21 =	vmul.f32 $5.486285310e-02, v27  }
0x89: {  	v61 =	vshrl.u32 v26, $0x11;
	v13 =	vmax.f32 v33, $0.0e+00;
	v42 =	vshrl.u32 v28, $0x11  }
0x8a: {  	v12 =	vmax.f32 v23, $0.0e+00;
	v8 =	vmax.f32 v3, $0.0e+00;
	v29 =	vpop (erf);
	v21 =	vsub.f32 $2.164104430e-01, v21  }
0x8b: {  	v11 =	vmax.f32 v18, $0.0e+00;
	v10 =	vmax.f32 v4, $0.0e+00;
	v20 =	vmul.f32 $5.486285310e-02, v29;
	v30 =	vpop (erf)  }
0x8c: {  	v9 =	vmax.f32 v5, $0.0e+00;
	v22 =	vmul.f32 $5.486285310e-02, v30;
	v35 =	vpop (erf);
	v21 =	vmul.f32 v21, v27  }
0x8d: {  	s26 =	simm.s32 $0x40C0;
	v37 =	vshrl.u32 v24, $0x11;
	v20 =	vsub.f32 $2.164104430e-01, v20;
	v23 =	vmul.f32 $5.486285310e-02, v35;
	v62 =	vpop (erf)  }
0x8e: {  	v39 =	vmul.f32 $5.486285310e-02, v62;
	v22 =	vsub.f32 $2.164104430e-01, v22;
	v41 =	vpop (erf);
	v21 =	vadd.f32 $-4.640725850e-01, v21  }
0x8f: {  	v40 =	vld [tilespmem:s26+$0x30];
	v23 =	vsub.f32 $2.164104430e-01, v23;
	v43 =	vmul.f32 $5.486285310e-02, v41;
	v44 =	vpop (erf);
	v20 =	vmul.f32 v20, v29  }
0x90: {  	[tilespmem:v54+s20+$0x0] =	vst.idx.add.s32.msk $0xffff, v2;
	v39 =	vsub.f32 $2.164104430e-01, v39;
	v45 =	vmul.f32 $5.486285310e-02, v44;
	v47 =	vmul.f32 v22, v30  }
0x91: {  	[tilespmem:v54+s21+$0x0] =	vst.idx.add.f32.msk $0xffff, v19;
	v21 =	vmul.f32 v21, v27;
	v46 =	vpop (erf);
	v63 =	vsub.f32 $2.164104430e-01, v43;
	v54 =	vmul.f32 v23, v35  }
0x92: {  	v50 =	vld [tilespmem:s26+$0xFFFFFFF0];
	v23 =	vmax.f32 v31, $0.0e+00;
	v20 =	vadd.f32 $-4.640725850e-01, v20;
	v19 =	vmul.f32 $5.486285310e-02, v46  }
0x93: {  	v53 =	vld [tilespmem:s26+$0xFFFFFFD0];
	v39 =	vmul.f32 v39, v62;
	v22 =	vsub.f32 $2.164104430e-01, v45;
	v21 =	vadd.f32 $9.954273100e-01, v21  }
0x94: {  	v52 =	vld [tilespmem:s26+$0xFFFFFFC0];
	v55 =	vadd.f32 $-4.640725850e-01, v47;
	v32 =	vmul.f32 v63, v41;
	v20 =	vmul.f32 v20, v29  }
0x95: {  	[tilespmem:v60+s20+$0x0] =	vst.idx.add.s32.msk $0xffff, v2;
	v48 =	vsub.f32 $2.164104430e-01, v19;
	v21 =	vmul.f32 v21, v27;
	v27 =	vmul.f32 v40, v31  }
0x96: {  	[tilespmem:v60+s21+$0x0] =	vst.idx.add.f32.msk $0xffff, v25;
	v49 =	vmul.f32 v22, v44;
	v39 =	vadd.f32 $-4.640725850e-01, v39;
	v40 =	vadd.f32 $-4.640725850e-01, v54  }
0x97: {  	[tilespmem:v61+s20+$0x0] =	vst.idx.add.s32.msk $0xffff, v2;
	v25 =	vmul.f32 v55, v30;
	v21 =	vadd.f32 $1.415121810e-04, v21;
	v27 =	vsub.f32 v23, v27  }
0x98: {  	[tilespmem:v61+s21+$0x0] =	vst.idx.add.f32.msk $0xffff, v26;
	v32 =	vadd.f32 $-4.640725850e-01, v32;
	v20 =	vadd.f32 $9.954273100e-01, v20;
	v48 =	vmul.f32 v48, v46  }
0x99: {  	v31 =	vld [tilespmem:s26+$0xFFFFFFE0];
	v39 =	vmul.f32 v39, v62;
	v56 =	vadd.f32 $-4.640725850e-01, v49;
	v27 =	vadd.f32 v21, v27  }
0x9a: {  	[tilespmem:v42+s20+$0x0] =	vst.idx.add.s32.msk $0xffff, v2;
	v25 =	vadd.f32 $9.954273100e-01, v25;
	v23 =	vmul.f32 v52, v33;
	v60 =	vmul.f32 v40, v35  }
0x9b: {  	[tilespmem:v42+s21+$0x0] =	vst.idx.add.f32.msk $0xffff, v28;
	v32 =	vmul.f32 v32, v41;
	v20 =	vmul.f32 v20, v29;
	v58 =	vmax.f32 v27, $0.0e+00  }
0x9c: {  	[tilespmem:v37+s20+$0x0] =	vst.idx.add.s32.msk $0xffff, v2;
	v57 =	vadd.f32 $-4.640725850e-01, v48;
	v26 =	vmul.f32 v56, v44;
	v59 =	vshrl.u32 v58, $0x11  }
0x9d: {  	v19 =	vld [tilespmem:s26+$0x0];
	v34 =	vadd.f32 $9.954273100e-01, v60;
	v29 =	vadd.f32 $9.954273100e-01, v32;
	v32 =	vmul.f32 v53, v17  }
0x9e: {  	v22 =	vld [tilespmem:s26+$0x10];
	v61 =	vmul.f32 v57, v46;
	v33 =	vmul.f32 v31, v16;
	v27 =	vadd.f32 $9.954273100e-01, v39  }
0x9f: {  	v21 =	vld [tilespmem:s26+$0x20];
	v26 =	vadd.f32 $9.954273100e-01, v26;
	v31 =	vmul.f32 v50, v18;
	v29 =	vmul.f32 v29, v41  }
0xa0: {  	[tilespmem:v37+s21+$0x0] =	vst.idx.add.f32.msk $0xffff, v24;
	v63 =	vadd.f32 $9.954273100e-01, v61;
	v27 =	vmul.f32 v27, v62;
	v62 =	vmul.f32 v25, v30  }
0xa1: {  	v28 =	vmul.f32 v26, v44;
	v30 =	vmul.f32 v34, v35;
	v25 =	vadd.f32 $1.415121810e-04, v20;
	[tilespmem:v59+s20+$0x0] =	vst.idx.add.s32.msk $0xffff, v2  }
0xa2: {  	s28 =	simm.s32 $0x8;
	s29 =	simm.s32 $0x140;
	v24 =	vadd.f32 $1.415121810e-04, v27;
	v27 =	vmul.f32 v63, v46;
	v26 =	vadd.f32 $1.415121810e-04, v62;
	[tilespmem:v59+s21+$0x0] =	vst.idx.add.f32.msk $0xffff, v58  }
.LBB2_5:
0xa3: {  	v20 =	vld [tilespmem:s29+$0x30];
	v30 =	vadd.f32 $1.415121810e-04, v30;
	v19 =	vmul.f32 v19, v4;
	v22 =	vmul.f32 v22, v5  }
0xa4: {  	s28 =	sadd.s32 $0x8, s28;
	v29 =	vadd.f32 $1.415121810e-04, v29;
	v28 =	vadd.f32 $1.415121810e-04, v28;
	v3 =	vmul.f32 v21, v3;
	v16 =	vld [tilespmem:s29+$0xFFFFFFD0]  }
0xa5: {  	v21 =	vsub.f32 v13, v23;
	v27 =	vadd.f32 $1.415121810e-04, v27;
	v13 =	vshrl.u32 v15, $0x11;
	p0 =	slt.u32 s28, $0x1F8;
	v17 =	vld [tilespmem:s29+$0xFFFFFFE0]  }
0xa6: {  	v32 =	vsub.f32 v6, v32;
	v34 =	vshrl.u32 v14, $0x11;
	v33 =	vsub.f32 v7, v33;
	v18 =	vld [tilespmem:s29+$0xFFFFFFF0]  }
0xa7: {  	v31 =	vsub.f32 v11, v31;
	v19 =	vsub.f32 v10, v19;
	v10 =	vshrl.u32 v12, $0x11;
	v4 =	vld [tilespmem:s29+$0x0]  }
0xa8: {  	v22 =	vsub.f32 v9, v22;
	v35 =	vsub.f32 v8, v3;
	v5 =	vld [tilespmem:s29+$0x10];
	v7 =	vand.u32 $0x7FFFFFFF, v20  }
0xa9: {  	v8 =	vand.u32 $0x7FFFFFFF, v16;
	v6 =	vmax.f32 v16, $0.0e+00;
	v3 =	vld [tilespmem:s29+$0x20];
	v9 =	vsub.f32 $0.0e+00, v7  }
0xaa: {  	v23 =	vld [tilespmem:s29+$0xFFFFFFC0];
	v8 =	vsub.f32 $0.0e+00, v8;
	v11 =	vand.u32 $0x7FFFFFFF, v17;
	v7 =	vmax.f32 v17, $0.0e+00  }
0xab: {  	v11 =	vsub.f32 $0.0e+00, v11;
	v36 =	vand.u32 $0x7FFFFFFF, v18;
	v9 =	vmul.f32 $1.442695020e+00, v9;
	[tilespmem:v13+s20+$0x0] =	vst.idx.add.s32.msk $0xffff, v2  }
0xac: {  	v8 =	vmul.f32 $1.442695020e+00, v8;
	v36 =	vsub.f32 $0.0e+00, v36;
	v37 =	vand.u32 $0x7FFFFFFF, v4;
	[tilespmem:v13+s21+$0x0] =	vst.idx.add.f32.msk $0xffff, v15  }
0xad: {  	v13 =	vsub.f32 $0.0e+00, v37;
	v15 =	vand.u32 $0x7FFFFFFF, v5;
	(erf) = vpow2.f32 v9;
	[tilespmem:v34+s20+$0x0] =	vst.idx.add.s32.msk $0xffff, v2  }
0xae: {  	v9 =	vmul.f32 $1.442695020e+00, v11;
	v11 =	vsub.f32 $0.0e+00, v15;
	v15 =	vand.u32 $0x7FFFFFFF, v3;
	[tilespmem:v34+s21+$0x0] =	vst.idx.add.f32.msk $0xffff, v14  }
0xaf: {  	v34 =	vmul.f32 $1.442695020e+00, v36;
	v14 =	vand.u32 $0x7FFFFFFF, v23;
	v15 =	vsub.f32 $0.0e+00, v15;
	[tilespmem:v10+s20+$0x0] =	vst.idx.add.s32.msk $0xffff, v2  }
0xb0: {  	v36 =	vmul.f32 $1.442695020e+00, v13;
	v14 =	vsub.f32 $0.0e+00, v14;
	v37 =	vmul.f32 $1.442695020e+00, v11;
	[tilespmem:v10+s21+$0x0] =	vst.idx.add.f32.msk $0xffff, v12  }
0xb1: {  	v13 =	vmax.f32 v23, $0.0e+00;
	v12 =	vmul.f32 $1.442695020e+00, v15;
	(erf) = vpow2.f32 v8  }
0xb2: {  	v11 =	vmax.f32 v18, $0.0e+00;
	v14 =	vmul.f32 $1.442695020e+00, v14;
	(erf) = vpow2.f32 v9  }
0xb3: {  	v10 =	vmax.f32 v4, $0.0e+00;
	v9 =	vmax.f32 v5, $0.0e+00;
	(erf) = vpow2.f32 v34  }
0xb4: {  	v8 =	vmax.f32 v3, $0.0e+00;
	(erf) = vpow2.f32 v14;
	v14 =	vadd.f32 v24, v21  }
0xb5: {  	v15 =	vadd.f32 v25, v32;
	v21 =	vadd.f32 v26, v33;
	(erf) = vpow2.f32 v36  }
0xb6: {  	v19 =	vadd.f32 v29, v19;
	v25 =	vadd.f32 v30, v31;
	(erf) = vpow2.f32 v37;
	v24 =	vpop (erf)  }
0xb7: {  	v26 =	vmul.f32 $5.486285310e-02, v24;
	(erf) = vpow2.f32 v12;
	v12 =	vadd.f32 v28, v22  }
0xb8: {  	v29 =	vmax.f32 v15, $0.0e+00;
	v28 =	vmax.f32 v14, $0.0e+00;
	v22 =	vadd.f32 v27, v35  }
0xb9: {  	v25 =	vmax.f32 v25, $0.0e+00;
	v27 =	vmax.f32 v21, $0.0e+00;
	v31 =	vsub.f32 $2.164104430e-01, v26  }
0xba: {  	v15 =	vmax.f32 v19, $0.0e+00;
	v14 =	vmax.f32 v12, $0.0e+00;
	v12 =	vmax.f32 v22, $0.0e+00;
	v30 =	vpop (erf)  }
0xbb: {  	v19 =	vmul.f32 $5.486285310e-02, v30;
	v21 =	vmul.f32 v31, v24;
	v26 =	vpop (erf);
	v31 =	vshrl.u32 v28, $0x11  }
0xbc: {  	v33 =	vshrl.u32 v29, $0x11;
	v34 =	vshrl.u32 v27, $0x11;
	v22 =	vmul.f32 $5.486285310e-02, v26;
	v32 =	vpop (erf)  }
0xbd: {  	s26 =	sadd.s32 $0x80, s26;
	v19 =	vsub.f32 $2.164104430e-01, v19;
	v35 =	vmul.f32 $5.486285310e-02, v32;
	v21 =	vadd.f32 $-4.640725850e-01, v21;
	v36 =	vpop (erf)  }
0xbe: {  	v40 =	vshrl.u32 v25, $0x11;
	v37 =	vmul.f32 $5.486285310e-02, v36;
	v22 =	vsub.f32 $2.164104430e-01, v22;
	v38 =	vld [tilespmem:s26+$0x30];
	v39 =	vpop (erf)  }
0xbf: {  	v41 =	vld [tilespmem:s26+$0xFFFFFFC0];
	v35 =	vsub.f32 $2.164104430e-01, v35;
	v42 =	vmul.f32 $5.486285310e-02, v39;
	v21 =	vmul.f32 v21, v24;
	v43 =	vpop (erf)  }
0xc0: {  	v45 =	vmul.f32 v19, v30;
	v37 =	vsub.f32 $2.164104430e-01, v37;
	v44 =	vld [tilespmem:s26+$0xFFFFFFD0];
	v46 =	vmul.f32 $5.486285310e-02, v43;
	v47 =	vpop (erf)  }
0xc1: {  	v19 =	vld [tilespmem:s26+$0x0];
	v42 =	vsub.f32 $2.164104430e-01, v42;
	v48 =	vmul.f32 $5.486285310e-02, v47;
	v21 =	vadd.f32 $9.954273100e-01, v21  }
0xc2: {  	v50 =	vmul.f32 v22, v26;
	v37 =	vmul.f32 v37, v36;
	v49 =	vld [tilespmem:s26+$0xFFFFFFE0];
	v46 =	vsub.f32 $2.164104430e-01, v46  }
0xc3: {  	v51 =	vld [tilespmem:s26+$0xFFFFFFF0];
	v48 =	vsub.f32 $2.164104430e-01, v48;
	v24 =	vmul.f32 v21, v24;
	v38 =	vmul.f32 v38, v20  }
0xc4: {  	v35 =	vmul.f32 v35, v32;
	v42 =	vmul.f32 v42, v39;
	v20 =	vmax.f32 v20, $0.0e+00;
	v22 =	vld [tilespmem:s26+$0x10]  }
0xc5: {  	v46 =	vmul.f32 v46, v43;
	v21 =	vld [tilespmem:s26+$0x20];
	v24 =	vadd.f32 $1.415121810e-04, v24;
	v20 =	vsub.f32 v20, v38  }
0xc6: {  	v37 =	vadd.f32 $-4.640725850e-01, v37;
	v38 =	vadd.f32 $-4.640725850e-01, v45;
	v45 =	vmul.f32 v48, v47;
	[tilespmem:v31+s20+$0x0] =	vst.idx.add.s32.msk $0xffff, v2  }
0xc7: {  	v23 =	vmul.f32 v41, v23;
	v41 =	vadd.f32 $-4.640725850e-01, v50;
	v20 =	vadd.f32 v24, v20;
	[tilespmem:v31+s21+$0x0] =	vst.idx.add.f32.msk $0xffff, v28  }
0xc8: {  	v24 =	vmul.f32 v37, v36;
	v28 =	vadd.f32 $-4.640725850e-01, v35;
	v31 =	vadd.f32 $-4.640725850e-01, v42;
	[tilespmem:v33+s20+$0x0] =	vst.idx.add.s32.msk $0xffff, v2  }
0xc9: {  	v35 =	vadd.f32 $-4.640725850e-01, v46;
	v37 =	vadd.f32 $-4.640725850e-01, v45;
	v20 =	vmax.f32 v20, $0.0e+00;
	[tilespmem:v33+s21+$0x0] =	vst.idx.add.f32.msk $0xffff, v29  }
0xca: {  	v29 =	vmul.f32 v38, v30;
	v33 =	vmul.f32 v41, v26;
	v38 =	vshrl.u32 v20, $0x11;
	[tilespmem:v34+s20+$0x0] =	vst.idx.add.s32.msk $0xffff, v2  }
0xcb: {  	v24 =	vadd.f32 $9.954273100e-01, v24;
	v28 =	vmul.f32 v28, v32;
	v31 =	vmul.f32 v31, v39;
	[tilespmem:v34+s21+$0x0] =	vst.idx.add.f32.msk $0xffff, v27  }
0xcc: {  	v27 =	vadd.f32 $9.954273100e-01, v29;
	v29 =	vmul.f32 v35, v43;
	v34 =	vmul.f32 v37, v47;
	[tilespmem:v40+s20+$0x0] =	vst.idx.add.s32.msk $0xffff, v2  }
0xcd: {  	v24 =	vmul.f32 v24, v36;
	v33 =	vadd.f32 $9.954273100e-01, v33;
	v28 =	vadd.f32 $9.954273100e-01, v28;
	[tilespmem:v40+s21+$0x0] =	vst.idx.add.f32.msk $0xffff, v25  }
.Ltmp3:
0xce: {  	v25 =	vmul.f32 v27, v30;
	v27 =	vadd.f32 $9.954273100e-01, v31;
	v31 =	vadd.f32 $9.954273100e-01, v29;
	(pc) =	sbr.rel @p0 .LBB2_5-.Ltmp3, $4  }
0xcf: {  	v26 =	vmul.f32 v33, v26;
	v30 =	vmul.f32 v28, v32;
	v33 =	vadd.f32 $9.954273100e-01, v34;
	[tilespmem:v38+s20+$0x0] =	vst.idx.add.s32.msk $0xffff, v2  }
0xd0: {  	v24 =	vadd.f32 $1.415121810e-04, v24;
	v29 =	vmul.f32 v27, v39;
	v28 =	vmul.f32 v31, v43;
	[tilespmem:v38+s21+$0x0] =	vst.idx.add.f32.msk $0xffff, v20  }
0xd1: {  	v32 =	vmul.f32 v44, v16;
	v25 =	vadd.f32 $1.415121810e-04, v25;
	v27 =	vmul.f32 v33, v47  }
0xd2: {  	s29 =	sadd.s32 $0x80, s29;
	v26 =	vadd.f32 $1.415121810e-04, v26;
	v33 =	vmul.f32 v49, v17;
	v31 =	vmul.f32 v51, v18  }
0xd3: {  	v16 =	vshrl.u32 v15, $0x11  }
0xd4: {  	v17 =	vshrl.u32 v14, $0x11  }
0xd5: {  	v18 =	vshrl.u32 v12, $0x11  }
0xd6: {  	v13 =	vsub.f32 v13, v23  }
0xd7: {  	v6 =	vsub.f32 v6, v32;
	v4 =	vmul.f32 v19, v4;
	v5 =	vmul.f32 v22, v5  }
0xd8: {  	v7 =	vsub.f32 v7, v33;
	v13 =	vadd.f32 v24, v13;
	[tilespmem:v16+s20+$0x0] =	vst.idx.add.s32.msk $0xffff, v2  }
0xd9: {  	v20 =	vadd.f32 $1.415121810e-04, v30;
	v3 =	vmul.f32 v21, v3;
	v6 =	vadd.f32 v25, v6;
	[tilespmem:v17+s20+$0x0] =	vst.idx.add.s32.msk $0xffff, v2  }
0xda: {  	v11 =	vsub.f32 v11, v31;
	v7 =	vadd.f32 v26, v7;
	v13 =	vmax.f32 v13, $0.0e+00;
	[tilespmem:v18+s20+$0x0] =	vst.idx.add.s32.msk $0xffff, v2  }
0xdb: {  	v4 =	vsub.f32 v10, v4;
	v6 =	vmax.f32 v6, $0.0e+00;
	[tilespmem:v16+s21+$0x0] =	vst.idx.add.f32.msk $0xffff, v15;
	v15 =	vshrl.u32 v13, $0x11  }
0xdc: {  	v10 =	vadd.f32 v20, v11;
	v7 =	vmax.f32 v7, $0.0e+00;
	[tilespmem:v17+s21+$0x0] =	vst.idx.add.f32.msk $0xffff, v14;
	v14 =	vshrl.u32 v6, $0x11  }
0xdd: {  	v5 =	vsub.f32 v9, v5;
	[tilespmem:v18+s21+$0x0] =	vst.idx.add.f32.msk $0xffff, v12;
	v12 =	vshrl.u32 v7, $0x11  }
0xde: {  	v3 =	vsub.f32 v8, v3;
	v9 =	vmax.f32 v10, $0.0e+00;
	v10 =	vadd.f32 $1.415121810e-04, v27  }
0xdf: {  	v16 =	vadd.f32 $1.415121810e-04, v29  }
0xe0: {  	v3 =	vadd.f32 v10, v3;
	[tilespmem:v15+s20+$0x0] =	vst.idx.add.s32.msk $0xffff, v2  }
0xe1: {  	v11 =	vadd.f32 $1.415121810e-04, v28;
	v4 =	vadd.f32 v16, v4;
	v16 =	vshrl.u32 v9, $0x11;
	[tilespmem:v14+s20+$0x0] =	vst.idx.add.s32.msk $0xffff, v2  }
0xe2: {  	v3 =	vmax.f32 v3, $0.0e+00;
	[tilespmem:v12+s20+$0x0] =	vst.idx.add.s32.msk $0xffff, v2  }
0xe3: {  	v5 =	vadd.f32 v11, v5;
	v8 =	vshrl.u32 v3, $0x11;
	[tilespmem:v15+s21+$0x0] =	vst.idx.add.f32.msk $0xffff, v13  }
0xe4: {  	v4 =	vmax.f32 v4, $0.0e+00;
	[tilespmem:v14+s21+$0x0] =	vst.idx.add.f32.msk $0xffff, v6  }
0xe5: {  	s26 =	sshll.u32 s25, $0x1;
	p0 =	seq.s32 s25, $0x7;
	v5 =	vmax.f32 v5, $0.0e+00;
	v6 =	vshrl.u32 v4, $0x11;
	[tilespmem:v12+s21+$0x0] =	vst.idx.add.f32.msk $0xffff, v7  }
0xe6: {  	s28 =	sadd.s32 @!p0 $0x2, s26;
	v7 =	vshrl.u32 v5, $0x11;
	[tilespmem:v16+s20+$0x0] =	vst.idx.add.s32.msk $0xffff, v2  }
0xe7: {  	s29 =	sshrl.u32 @!p0 s28, $0x2;
	[tilespmem:v16+s21+$0x0] =	vst.idx.add.f32.msk $0xffff, v9  }
0xe8: {  	s29 =	sadd.s32 @!p0 s5, s29;
	[tilespmem:v8+s20+$0x0] =	vst.idx.add.s32.msk $0xffff, v2  }
0xe9: {  	s28 =	sshll.u32 @!p0 s28, $0xD;
	s30 =	sshll.u32 @!p0 s29, $0xC;
	[tilespmem:v8+s21+$0x0] =	vst.idx.add.f32.msk $0xffff, v3  }
0xea: {  	s28 =	sand.u32 @!p0 $0x4000, s28;
	s29 =	sshll.u32 @!p0 s29, $0x4;
	s30 =	sand.u32 @!p0 $0xFFF8000, s30;
	[tilespmem:v6+s20+$0x0] =	vst.idx.add.s32.msk $0xffff, v2  }
0xeb: {  	s29 =	sand.u32 @!p0 $0x70, s29;
	s28 =	sor.u32 @!p0 s28, s30;
	[tilespmem:v7+s20+$0x0] =	vst.idx.add.s32.msk $0xffff, v2  }
0xec: {  	s31 =	simm.s32 @!p0 $0x400;
	s28 =	sor.u32 @!p0 s29, s28;
	[tilespmem:v6+s21+$0x0] =	vst.idx.add.f32.msk $0xffff, v4  }
0xed: {  	s2 =	simm.s32 @!p0 $0x0;
	s30 =	simm.s32 @!p0 $0x80;
	s29 =	sadd.s32 @!p0 s1, s28;
	[tilespmem:v7+s21+$0x0] =	vst.idx.add.f32.msk $0xffff, v5  }
0xee: {  	[tilespmem:s2], [sflag:$0x1] =	stream.strided.gather @!p0 [hbm4b:s29+s30], $0x2000, s31, s30, $0x38;
	[tilespmem:$0x18000] =	vst v63  }
0xef: {  	s2 =	sadd.s32 @!p0 s3, s28;
	s28 =	simm.s32 @!p0 $0x4000  }
0xf0: {  	[tilespmem:s28], [sflag:$0x3] =	stream.strided.gather @!p0 [hbm4b:s2+s30], $0x2000, s31, s30, $0x38;
	[tilespmem:$0x18000] =	vst v63  }
0xf1: {  	_ =	swait.ge [sflag:s22], $0x2000  }
0xf2: {  	[sflag:s22] =	ssyncset.done $0x0  }
0xf3: {  	[sflag:s22] =	ssyncadd.s32 $0xFFFFE000  }
0xf4: {  	_ =	swait.ge [sflag:s23], $0x2000  }
0xf5: {  	[sflag:s23] =	ssyncset.done $0x0  }
0xf6: {  	s31 =	simm.s32 $0x2040;
	[sflag:s23] =	ssyncadd.s32 $0xFFFFE000  }
0xf7: {  	v8 =	vld [tilespmem:s31+$0x30];
	_ =	sdelay $0x1  }
0xf8: {  	v9 =	vld [tilespmem:s31+$0xFFFFFFD0]  }
0xf9: {  	v6 =	vld [tilespmem:s31+$0xFFFFFFE0]  }
0xfa: {  	v4 =	vld [tilespmem:s31+$0x0]  }
0xfb: {  	v7 =	vld [tilespmem:s31+$0xFFFFFFF0];
	v3 =	vand.u32 $0x7FFFFFFF, v8  }
0xfc: {  	v10 =	vld [tilespmem:s31+$0xFFFFFFC0];
	v5 =	vsub.f32 $0.0e+00, v3  }
0xfd: {  	v3 =	vld [tilespmem:s31+$0x10]  }
0xfe: {  	v11 =	vand.u32 $0x7FFFFFFF, v9;
	v12 =	vmul.f32 $1.442695020e+00, v5  }
0xff: {  	v13 =	vand.u32 $0x7FFFFFFF, v6;
	v14 =	vand.u32 $0x7FFFFFFF, v4;
	v11 =	vsub.f32 $0.0e+00, v11  }
0x100: {  	v13 =	vsub.f32 $0.0e+00, v13;
	v5 =	vld [tilespmem:s31+$0x20];
	(erf) = vpow2.f32 v12;
	v12 =	vand.u32 $0x7FFFFFFF, v7  }
0x101: {  	s28 =	simm.s32 $0x6040;
	v15 =	vand.u32 $0x7FFFFFFF, v10;
	v11 =	vmul.f32 $1.442695020e+00, v11;
	v12 =	vsub.f32 $0.0e+00, v12  }
0x102: {  	v53 =	vld [tilespmem:s28+$0xFFFFFFF0];
	v15 =	vsub.f32 $0.0e+00, v15;
	v13 =	vmul.f32 $1.442695020e+00, v13;
	v16 =	vand.u32 $0x7FFFFFFF, v3  }
0x103: {  	(erf) = vpow2.f32 v11;
	v16 =	vsub.f32 $0.0e+00, v16;
	v12 =	vmul.f32 $1.442695020e+00, v12  }
0x104: {  	v52 =	vld [tilespmem:s28+$0xFFFFFFE0];
	v14 =	vsub.f32 $0.0e+00, v14;
	v15 =	vmul.f32 $1.442695020e+00, v15;
	(erf) = vpow2.f32 v13  }
0x105: {  	v11 =	vand.u32 $0x7FFFFFFF, v5;
	(erf) = vpow2.f32 v12;
	v12 =	vmul.f32 $1.442695020e+00, v16  }
0x106: {  	s31 =	simm.s32 $0x20C0;
	v13 =	vmul.f32 $1.442695020e+00, v14;
	v11 =	vsub.f32 $0.0e+00, v11  }
0x107: {  	v20 =	vmax.f32 v7, $0.0e+00;
	v33 =	vld [tilespmem:s31+$0xFFFFFFC0];
	v7 =	vmul.f32 v53, v7;
	(erf) = vpow2.f32 v15  }
0x108: {  	v35 =	vld [tilespmem:s28+$0xFFFFFFC0];
	v11 =	vmul.f32 $1.442695020e+00, v11;
	(erf) = vpow2.f32 v13  }
0x109: {  	v14 =	vmax.f32 v6, $0.0e+00;
	v6 =	vmul.f32 v52, v6;
	(erf) = vpow2.f32 v12;
	v12 =	vpop (erf)  }
0x10a: {  	(erf) = vpow2.f32 v11;
	v13 =	vmul.f32 $5.486285310e-02, v12  }
0x10b: {  	v21 =	vmax.f32 v4, $0.0e+00;
	v22 =	vmax.f32 v3, $0.0e+00;
	v20 =	vsub.f32 v20, v7  }
0x10c: {  	v14 =	vsub.f32 v14, v6;
	v57 =	vand.u32 $0x7FFFFFFF, v33;
	v16 =	vpop (erf);
	v11 =	vsub.f32 $2.164104430e-01, v13  }
0x10d: {  	v15 =	vmax.f32 v10, $0.0e+00;
	v10 =	vmul.f32 v35, v10;
	v17 =	vpop (erf);
	v18 =	vmul.f32 $5.486285310e-02, v16  }
0x10e: {  	v58 =	vsub.f32 $0.0e+00, v57;
	v19 =	vmul.f32 $5.486285310e-02, v17;
	v11 =	vmul.f32 v11, v12  }
0x10f: {  	v24 =	vmax.f32 v5, $0.0e+00;
	v15 =	vsub.f32 v15, v10;
	v18 =	vsub.f32 $2.164104430e-01, v18;
	v23 =	vpop (erf)  }
0x110: {  	v19 =	vsub.f32 $2.164104430e-01, v19;
	v25 =	vmul.f32 $5.486285310e-02, v23;
	v26 =	vpop (erf);
	v11 =	vadd.f32 $-4.640725850e-01, v11  }
0x111: {  	v13 =	vmax.f32 v9, $0.0e+00;
	v18 =	vmul.f32 v18, v16;
	v27 =	vmul.f32 $5.486285310e-02, v26;
	v29 =	vpop (erf)  }
0x112: {  	v28 =	vld [tilespmem:s28+$0x30];
	v19 =	vmul.f32 v19, v17;
	v25 =	vsub.f32 $2.164104430e-01, v25;
	v31 =	vpop (erf);
	v11 =	vmul.f32 v11, v12  }
0x113: {  	v30 =	vmul.f32 $5.486285310e-02, v29;
	v18 =	vadd.f32 $-4.640725850e-01, v18;
	v27 =	vsub.f32 $2.164104430e-01, v27;
	v50 =	vpop (erf)  }
0x114: {  	v49 =	vmul.f32 $5.486285310e-02, v31;
	v34 =	vmul.f32 $5.486285310e-02, v50;
	v11 =	vadd.f32 $9.954273100e-01, v11  }
0x115: {  	v30 =	vsub.f32 $2.164104430e-01, v30;
	v25 =	vmul.f32 v25, v23;
	v18 =	vmul.f32 v18, v16  }
0x116: {  	v27 =	vmul.f32 v27, v26;
	v32 =	vsub.f32 $2.164104430e-01, v49;
	v11 =	vmul.f32 v11, v12  }
0x117: {  	v34 =	vsub.f32 $2.164104430e-01, v34;
	v18 =	vadd.f32 $9.954273100e-01, v18;
	v12 =	vmul.f32 v28, v8  }
0x118: {  	v28 =	vmul.f32 v30, v29;
	v8 =	vmax.f32 v8, $0.0e+00;
	v11 =	vadd.f32 $1.415121810e-04, v11  }
0x119: {  	v30 =	vmul.f32 v32, v31;
	v8 =	vsub.f32 v8, v12;
	v12 =	vadd.f32 $-4.640725850e-01, v27  }
0x11a: {  	v51 =	vadd.f32 $-4.640725850e-01, v19;
	v16 =	vmul.f32 v18, v16;
	v27 =	vmul.f32 v34, v50  }
0x11b: {  	v8 =	vadd.f32 v11, v8;
	v11 =	vmul.f32 v12, v26;
	v12 =	vadd.f32 $-4.640725850e-01, v25  }
0x11c: {  	v34 =	vmul.f32 $1.442695020e+00, v58;
	v25 =	vadd.f32 $-4.640725850e-01, v28;
	v28 =	vadd.f32 $-4.640725850e-01, v30;
	v30 =	vld [tilespmem:s28+$0xFFFFFFD0]  }
0x11d: {  	v27 =	vadd.f32 $-4.640725850e-01, v27;
	v19 =	vmax.f32 v8, $0.0e+00;
	v8 =	vmul.f32 v51, v17  }
0x11e: {  	v11 =	vadd.f32 $9.954273100e-01, v11;
	v12 =	vmul.f32 v12, v23;
	v25 =	vmul.f32 v25, v29  }
0x11f: {  	v28 =	vmul.f32 v28, v31;
	v27 =	vmul.f32 v27, v50;
	v8 =	vadd.f32 $9.954273100e-01, v8  }
0x120: {  	v18 =	vld [tilespmem:s28+$0x0];
	v11 =	vmul.f32 v11, v26;
	v12 =	vadd.f32 $9.954273100e-01, v12;
	v25 =	vadd.f32 $9.954273100e-01, v25  }
0x121: {  	v26 =	vadd.f32 $9.954273100e-01, v28;
	v28 =	vld [tilespmem:s28+$0x10];
	v9 =	vmul.f32 v30, v9;
	v8 =	vmul.f32 v8, v17  }
0x122: {  	v12 =	vmul.f32 v12, v23;
	v17 =	vadd.f32 $9.954273100e-01, v27;
	v23 =	vadd.f32 $1.415121810e-04, v11  }
0x123: {  	v25 =	vmul.f32 v25, v29;
	v26 =	vmul.f32 v26, v31;
	v27 =	vadd.f32 $1.415121810e-04, v16;
	v31 =	vld [tilespmem:s31+$0x30]  }
0x124: {  	v11 =	vld [tilespmem:s28+$0x20];
	v29 =	vmul.f32 v17, v50;
	v30 =	vadd.f32 $1.415121810e-04, v8;
	v12 =	vadd.f32 $1.415121810e-04, v12  }
0x125: {  	v16 =	vld [tilespmem:s31+$0xFFFFFFE0];
	v8 =	vmul.f32 v18, v4;
	v25 =	vadd.f32 $1.415121810e-04, v25;
	v26 =	vadd.f32 $1.415121810e-04, v26  }
0x126: {  	v17 =	vld [tilespmem:s31+$0xFFFFFFD0];
	v15 =	vadd.f32 v23, v15;
	v3 =	vmul.f32 v28, v3;
	v28 =	vadd.f32 $1.415121810e-04, v29  }
0x127: {  	v54 =	vshrl.u32 v19, $0x11;
	v29 =	vsub.f32 v13, v9;
	v21 =	vsub.f32 v21, v8  }
0x128: {  	v18 =	vld [tilespmem:s31+$0xFFFFFFF0];
	v14 =	vadd.f32 v30, v14;
	v12 =	vadd.f32 v12, v20;
	v7 =	vand.u32 $0x7FFFFFFF, v31  }
0x129: {  	v4 =	vld [tilespmem:s31+$0x0];
	v10 =	vmul.f32 v11, v5;
	v22 =	vsub.f32 v22, v3;
	v9 =	vsub.f32 $0.0e+00, v7  }
0x12a: {  	v7 =	vmax.f32 v16, $0.0e+00;
	v23 =	vadd.f32 v27, v29;
	v20 =	vadd.f32 v25, v21  }
0x12b: {  	v5 =	vld [tilespmem:s31+$0x10];
	v25 =	vmax.f32 v15, $0.0e+00;
	v8 =	vand.u32 $0x7FFFFFFF, v17;
	v9 =	vmul.f32 $1.442695020e+00, v9  }
0x12c: {  	v24 =	vsub.f32 v24, v10;
	v10 =	vand.u32 $0x7FFFFFFF, v16;
	v8 =	vsub.f32 $0.0e+00, v8  }
0x12d: {  	v3 =	vld [tilespmem:s31+$0x20];
	v11 =	vand.u32 $0x7FFFFFFF, v18;
	v10 =	vsub.f32 $0.0e+00, v10;
	(erf) = vpow2.f32 v9  }
0x12e: {  	v13 =	vand.u32 $0x7FFFFFFF, v4;
	v11 =	vsub.f32 $0.0e+00, v11;
	v8 =	vmul.f32 $1.442695020e+00, v8  }
0x12f: {  	v6 =	vmax.f32 v17, $0.0e+00;
	v13 =	vsub.f32 $0.0e+00, v13;
	v9 =	vmul.f32 $1.442695020e+00, v10  }
0x130: {  	v55 =	vand.u32 $0x7FFFFFFF, v5;
	v36 =	vmul.f32 $1.442695020e+00, v11;
	(erf) = vpow2.f32 v8  }
0x131: {  	v22 =	vadd.f32 v26, v22;
	v10 =	vsub.f32 $0.0e+00, v55;
	(erf) = vpow2.f32 v9  }
0x132: {  	v56 =	vand.u32 $0x7FFFFFFF, v3;
	v59 =	vmul.f32 $1.442695020e+00, v13;
	(erf) = vpow2.f32 v36  }
0x133: {  	v11 =	vsub.f32 $0.0e+00, v56;
	v37 =	vmul.f32 $1.442695020e+00, v10;
	(erf) = vpow2.f32 v34  }
0x134: {  	v60 =	vshrl.u32 v25, $0x11;
	v26 =	vmax.f32 v23, $0.0e+00;
	(erf) = vpow2.f32 v59  }
0x135: {  	v15 =	vmax.f32 v20, $0.0e+00;
	v38 =	vmul.f32 $1.442695020e+00, v11;
	(erf) = vpow2.f32 v37  }
0x136: {  	v23 =	vadd.f32 v28, v24;
	v24 =	vmax.f32 v14, $0.0e+00;
	v28 =	vmax.f32 v12, $0.0e+00;
	v27 =	vpop (erf)  }
0x137: {  	v14 =	vmax.f32 v22, $0.0e+00;
	(erf) = vpow2.f32 v38;
	v21 =	vmul.f32 $5.486285310e-02, v27  }
0x138: {  	v61 =	vshrl.u32 v26, $0x11;
	v13 =	vmax.f32 v33, $0.0e+00;
	v42 =	vshrl.u32 v28, $0x11  }
0x139: {  	v12 =	vmax.f32 v23, $0.0e+00;
	v8 =	vmax.f32 v3, $0.0e+00;
	v29 =	vpop (erf);
	v21 =	vsub.f32 $2.164104430e-01, v21  }
0x13a: {  	v11 =	vmax.f32 v18, $0.0e+00;
	v10 =	vmax.f32 v4, $0.0e+00;
	v20 =	vmul.f32 $5.486285310e-02, v29;
	v30 =	vpop (erf)  }
0x13b: {  	v9 =	vmax.f32 v5, $0.0e+00;
	v22 =	vmul.f32 $5.486285310e-02, v30;
	v35 =	vpop (erf);
	v21 =	vmul.f32 v21, v27  }
0x13c: {  	s28 =	simm.s32 $0x60C0;
	v37 =	vshrl.u32 v24, $0x11;
	v20 =	vsub.f32 $2.164104430e-01, v20;
	v23 =	vmul.f32 $5.486285310e-02, v35;
	v62 =	vpop (erf)  }
0x13d: {  	v39 =	vmul.f32 $5.486285310e-02, v62;
	v22 =	vsub.f32 $2.164104430e-01, v22;
	v41 =	vpop (erf);
	v21 =	vadd.f32 $-4.640725850e-01, v21  }
0x13e: {  	v40 =	vld [tilespmem:s28+$0x30];
	v23 =	vsub.f32 $2.164104430e-01, v23;
	v43 =	vmul.f32 $5.486285310e-02, v41;
	v44 =	vpop (erf);
	v20 =	vmul.f32 v20, v29  }
0x13f: {  	[tilespmem:v54+s20+$0x0] =	vst.idx.add.s32.msk $0xffff, v2;
	v39 =	vsub.f32 $2.164104430e-01, v39;
	v45 =	vmul.f32 $5.486285310e-02, v44;
	v47 =	vmul.f32 v22, v30  }
0x140: {  	[tilespmem:v54+s21+$0x0] =	vst.idx.add.f32.msk $0xffff, v19;
	v21 =	vmul.f32 v21, v27;
	v46 =	vpop (erf);
	v63 =	vsub.f32 $2.164104430e-01, v43;
	v54 =	vmul.f32 v23, v35  }
0x141: {  	v52 =	vld [tilespmem:s28+$0xFFFFFFC0];
	v23 =	vmax.f32 v31, $0.0e+00;
	v20 =	vadd.f32 $-4.640725850e-01, v20;
	v19 =	vmul.f32 $5.486285310e-02, v46  }
0x142: {  	v53 =	vld [tilespmem:s28+$0xFFFFFFD0];
	v39 =	vmul.f32 v39, v62;
	v22 =	vsub.f32 $2.164104430e-01, v45;
	v21 =	vadd.f32 $9.954273100e-01, v21  }
0x143: {  	v50 =	vld [tilespmem:s28+$0xFFFFFFF0];
	v55 =	vadd.f32 $-4.640725850e-01, v47;
	v32 =	vmul.f32 v63, v41;
	v20 =	vmul.f32 v20, v29  }
0x144: {  	[tilespmem:v60+s20+$0x0] =	vst.idx.add.s32.msk $0xffff, v2;
	v48 =	vsub.f32 $2.164104430e-01, v19;
	v21 =	vmul.f32 v21, v27;
	v27 =	vmul.f32 v40, v31  }
0x145: {  	[tilespmem:v60+s21+$0x0] =	vst.idx.add.f32.msk $0xffff, v25;
	v49 =	vmul.f32 v22, v44;
	v39 =	vadd.f32 $-4.640725850e-01, v39;
	v40 =	vadd.f32 $-4.640725850e-01, v54  }
0x146: {  	[tilespmem:v61+s20+$0x0] =	vst.idx.add.s32.msk $0xffff, v2;
	v25 =	vmul.f32 v55, v30;
	v21 =	vadd.f32 $1.415121810e-04, v21;
	v27 =	vsub.f32 v23, v27  }
0x147: {  	[tilespmem:v61+s21+$0x0] =	vst.idx.add.f32.msk $0xffff, v26;
	v32 =	vadd.f32 $-4.640725850e-01, v32;
	v20 =	vadd.f32 $9.954273100e-01, v20;
	v48 =	vmul.f32 v48, v46  }
0x148: {  	v31 =	vld [tilespmem:s28+$0xFFFFFFE0];
	v39 =	vmul.f32 v39, v62;
	v56 =	vadd.f32 $-4.640725850e-01, v49;
	v27 =	vadd.f32 v21, v27  }
0x149: {  	[tilespmem:v42+s20+$0x0] =	vst.idx.add.s32.msk $0xffff, v2;
	v25 =	vadd.f32 $9.954273100e-01, v25;
	v23 =	vmul.f32 v52, v33;
	v60 =	vmul.f32 v40, v35  }
0x14a: {  	[tilespmem:v42+s21+$0x0] =	vst.idx.add.f32.msk $0xffff, v28;
	v32 =	vmul.f32 v32, v41;
	v20 =	vmul.f32 v20, v29;
	v58 =	vmax.f32 v27, $0.0e+00  }
0x14b: {  	[tilespmem:v37+s20+$0x0] =	vst.idx.add.s32.msk $0xffff, v2;
	v57 =	vadd.f32 $-4.640725850e-01, v48;
	v26 =	vmul.f32 v56, v44;
	v59 =	vshrl.u32 v58, $0x11  }
0x14c: {  	v19 =	vld [tilespmem:s28+$0x0];
	v34 =	vadd.f32 $9.954273100e-01, v60;
	v29 =	vadd.f32 $9.954273100e-01, v32;
	v32 =	vmul.f32 v53, v17  }
0x14d: {  	v22 =	vld [tilespmem:s28+$0x10];
	v61 =	vmul.f32 v57, v46;
	v33 =	vmul.f32 v31, v16;
	v27 =	vadd.f32 $9.954273100e-01, v39  }
0x14e: {  	v21 =	vld [tilespmem:s28+$0x20];
	v26 =	vadd.f32 $9.954273100e-01, v26;
	v31 =	vmul.f32 v50, v18;
	v29 =	vmul.f32 v29, v41  }
0x14f: {  	[tilespmem:v37+s21+$0x0] =	vst.idx.add.f32.msk $0xffff, v24;
	v63 =	vadd.f32 $9.954273100e-01, v61;
	v27 =	vmul.f32 v27, v62;
	v62 =	vmul.f32 v25, v30  }
0x150: {  	v28 =	vmul.f32 v26, v44;
	v30 =	vmul.f32 v34, v35;
	v25 =	vadd.f32 $1.415121810e-04, v20;
	[tilespmem:v59+s20+$0x0] =	vst.idx.add.s32.msk $0xffff, v2  }
0x151: {  	s29 =	simm.s32 $0x8;
	s30 =	simm.s32 $0x2140;
	v24 =	vadd.f32 $1.415121810e-04, v27;
	v27 =	vmul.f32 v63, v46;
	v26 =	vadd.f32 $1.415121810e-04, v62;
	[tilespmem:v59+s21+$0x0] =	vst.idx.add.f32.msk $0xffff, v58  }
.LBB2_7:
0x152: {  	v20 =	vld [tilespmem:s30+$0x30];
	v30 =	vadd.f32 $1.415121810e-04, v30;
	v19 =	vmul.f32 v19, v4;
	v22 =	vmul.f32 v22, v5  }
0x153: {  	s29 =	sadd.s32 $0x8, s29;
	v29 =	vadd.f32 $1.415121810e-04, v29;
	v28 =	vadd.f32 $1.415121810e-04, v28;
	v3 =	vmul.f32 v21, v3;
	v16 =	vld [tilespmem:s30+$0xFFFFFFD0]  }
0x154: {  	v21 =	vsub.f32 v13, v23;
	v27 =	vadd.f32 $1.415121810e-04, v27;
	v13 =	vshrl.u32 v15, $0x11;
	p1 =	slt.u32 s29, $0x1F8;
	v17 =	vld [tilespmem:s30+$0xFFFFFFE0]  }
0x155: {  	v32 =	vsub.f32 v6, v32;
	v34 =	vshrl.u32 v14, $0x11;
	v33 =	vsub.f32 v7, v33;
	v18 =	vld [tilespmem:s30+$0xFFFFFFF0]  }
0x156: {  	v31 =	vsub.f32 v11, v31;
	v19 =	vsub.f32 v10, v19;
	v10 =	vshrl.u32 v12, $0x11;
	v4 =	vld [tilespmem:s30+$0x0]  }
0x157: {  	v22 =	vsub.f32 v9, v22;
	v35 =	vsub.f32 v8, v3;
	v5 =	vld [tilespmem:s30+$0x10];
	v7 =	vand.u32 $0x7FFFFFFF, v20  }
0x158: {  	v8 =	vand.u32 $0x7FFFFFFF, v16;
	v6 =	vmax.f32 v16, $0.0e+00;
	v3 =	vld [tilespmem:s30+$0x20];
	v9 =	vsub.f32 $0.0e+00, v7  }
0x159: {  	v23 =	vld [tilespmem:s30+$0xFFFFFFC0];
	v8 =	vsub.f32 $0.0e+00, v8;
	v11 =	vand.u32 $0x7FFFFFFF, v17;
	v7 =	vmax.f32 v17, $0.0e+00  }
0x15a: {  	v11 =	vsub.f32 $0.0e+00, v11;
	v36 =	vand.u32 $0x7FFFFFFF, v18;
	v9 =	vmul.f32 $1.442695020e+00, v9;
	[tilespmem:v13+s20+$0x0] =	vst.idx.add.s32.msk $0xffff, v2  }
0x15b: {  	v8 =	vmul.f32 $1.442695020e+00, v8;
	v36 =	vsub.f32 $0.0e+00, v36;
	v37 =	vand.u32 $0x7FFFFFFF, v4;
	[tilespmem:v13+s21+$0x0] =	vst.idx.add.f32.msk $0xffff, v15  }
0x15c: {  	v13 =	vsub.f32 $0.0e+00, v37;
	v15 =	vand.u32 $0x7FFFFFFF, v5;
	(erf) = vpow2.f32 v9;
	[tilespmem:v34+s20+$0x0] =	vst.idx.add.s32.msk $0xffff, v2  }
0x15d: {  	v9 =	vmul.f32 $1.442695020e+00, v11;
	v11 =	vsub.f32 $0.0e+00, v15;
	v15 =	vand.u32 $0x7FFFFFFF, v3;
	[tilespmem:v34+s21+$0x0] =	vst.idx.add.f32.msk $0xffff, v14  }
0x15e: {  	v34 =	vmul.f32 $1.442695020e+00, v36;
	v14 =	vand.u32 $0x7FFFFFFF, v23;
	v15 =	vsub.f32 $0.0e+00, v15;
	[tilespmem:v10+s20+$0x0] =	vst.idx.add.s32.msk $0xffff, v2  }
0x15f: {  	v36 =	vmul.f32 $1.442695020e+00, v13;
	v14 =	vsub.f32 $0.0e+00, v14;
	v37 =	vmul.f32 $1.442695020e+00, v11;
	[tilespmem:v10+s21+$0x0] =	vst.idx.add.f32.msk $0xffff, v12  }
0x160: {  	v13 =	vmax.f32 v23, $0.0e+00;
	v12 =	vmul.f32 $1.442695020e+00, v15;
	(erf) = vpow2.f32 v8  }
0x161: {  	v11 =	vmax.f32 v18, $0.0e+00;
	v14 =	vmul.f32 $1.442695020e+00, v14;
	(erf) = vpow2.f32 v9  }
0x162: {  	v10 =	vmax.f32 v4, $0.0e+00;
	v9 =	vmax.f32 v5, $0.0e+00;
	(erf) = vpow2.f32 v34  }
0x163: {  	v8 =	vmax.f32 v3, $0.0e+00;
	(erf) = vpow2.f32 v14;
	v14 =	vadd.f32 v24, v21  }
0x164: {  	v15 =	vadd.f32 v25, v32;
	v21 =	vadd.f32 v26, v33;
	(erf) = vpow2.f32 v36  }
0x165: {  	v19 =	vadd.f32 v29, v19;
	v25 =	vadd.f32 v30, v31;
	(erf) = vpow2.f32 v37;
	v24 =	vpop (erf)  }
0x166: {  	v26 =	vmul.f32 $5.486285310e-02, v24;
	(erf) = vpow2.f32 v12;
	v12 =	vadd.f32 v28, v22  }
0x167: {  	v29 =	vmax.f32 v15, $0.0e+00;
	v28 =	vmax.f32 v14, $0.0e+00;
	v22 =	vadd.f32 v27, v35  }
0x168: {  	v25 =	vmax.f32 v25, $0.0e+00;
	v27 =	vmax.f32 v21, $0.0e+00;
	v31 =	vsub.f32 $2.164104430e-01, v26  }
0x169: {  	v15 =	vmax.f32 v19, $0.0e+00;
	v14 =	vmax.f32 v12, $0.0e+00;
	v12 =	vmax.f32 v22, $0.0e+00;
	v30 =	vpop (erf)  }
0x16a: {  	v19 =	vmul.f32 $5.486285310e-02, v30;
	v21 =	vmul.f32 v31, v24;
	v26 =	vpop (erf);
	v31 =	vshrl.u32 v28, $0x11  }
0x16b: {  	v33 =	vshrl.u32 v29, $0x11;
	v34 =	vshrl.u32 v27, $0x11;
	v22 =	vmul.f32 $5.486285310e-02, v26;
	v32 =	vpop (erf)  }
0x16c: {  	s28 =	sadd.s32 $0x80, s28;
	v19 =	vsub.f32 $2.164104430e-01, v19;
	v35 =	vmul.f32 $5.486285310e-02, v32;
	v21 =	vadd.f32 $-4.640725850e-01, v21;
	v36 =	vpop (erf)  }
0x16d: {  	v40 =	vshrl.u32 v25, $0x11;
	v37 =	vmul.f32 $5.486285310e-02, v36;
	v22 =	vsub.f32 $2.164104430e-01, v22;
	v38 =	vld [tilespmem:s28+$0x30];
	v39 =	vpop (erf)  }
0x16e: {  	v41 =	vld [tilespmem:s28+$0xFFFFFFC0];
	v35 =	vsub.f32 $2.164104430e-01, v35;
	v42 =	vmul.f32 $5.486285310e-02, v39;
	v21 =	vmul.f32 v21, v24;
	v43 =	vpop (erf)  }
0x16f: {  	v45 =	vmul.f32 v19, v30;
	v37 =	vsub.f32 $2.164104430e-01, v37;
	v44 =	vld [tilespmem:s28+$0xFFFFFFD0];
	v46 =	vmul.f32 $5.486285310e-02, v43;
	v47 =	vpop (erf)  }
0x170: {  	v19 =	vld [tilespmem:s28+$0x0];
	v42 =	vsub.f32 $2.164104430e-01, v42;
	v48 =	vmul.f32 $5.486285310e-02, v47;
	v21 =	vadd.f32 $9.954273100e-01, v21  }
0x171: {  	v50 =	vmul.f32 v22, v26;
	v37 =	vmul.f32 v37, v36;
	v49 =	vld [tilespmem:s28+$0xFFFFFFE0];
	v46 =	vsub.f32 $2.164104430e-01, v46  }
0x172: {  	v51 =	vld [tilespmem:s28+$0xFFFFFFF0];
	v48 =	vsub.f32 $2.164104430e-01, v48;
	v24 =	vmul.f32 v21, v24;
	v38 =	vmul.f32 v38, v20  }
0x173: {  	v35 =	vmul.f32 v35, v32;
	v42 =	vmul.f32 v42, v39;
	v20 =	vmax.f32 v20, $0.0e+00;
	v22 =	vld [tilespmem:s28+$0x10]  }
0x174: {  	v46 =	vmul.f32 v46, v43;
	v21 =	vld [tilespmem:s28+$0x20];
	v24 =	vadd.f32 $1.415121810e-04, v24;
	v20 =	vsub.f32 v20, v38  }
0x175: {  	v37 =	vadd.f32 $-4.640725850e-01, v37;
	v38 =	vadd.f32 $-4.640725850e-01, v45;
	v45 =	vmul.f32 v48, v47;
	[tilespmem:v31+s20+$0x0] =	vst.idx.add.s32.msk $0xffff, v2  }
0x176: {  	v23 =	vmul.f32 v41, v23;
	v41 =	vadd.f32 $-4.640725850e-01, v50;
	v20 =	vadd.f32 v24, v20;
	[tilespmem:v31+s21+$0x0] =	vst.idx.add.f32.msk $0xffff, v28  }
0x177: {  	v24 =	vmul.f32 v37, v36;
	v28 =	vadd.f32 $-4.640725850e-01, v35;
	v31 =	vadd.f32 $-4.640725850e-01, v42;
	[tilespmem:v33+s20+$0x0] =	vst.idx.add.s32.msk $0xffff, v2  }
0x178: {  	v35 =	vadd.f32 $-4.640725850e-01, v46;
	v37 =	vadd.f32 $-4.640725850e-01, v45;
	v20 =	vmax.f32 v20, $0.0e+00;
	[tilespmem:v33+s21+$0x0] =	vst.idx.add.f32.msk $0xffff, v29  }
0x179: {  	v29 =	vmul.f32 v38, v30;
	v33 =	vmul.f32 v41, v26;
	v38 =	vshrl.u32 v20, $0x11;
	[tilespmem:v34+s20+$0x0] =	vst.idx.add.s32.msk $0xffff, v2  }
0x17a: {  	v24 =	vadd.f32 $9.954273100e-01, v24;
	v28 =	vmul.f32 v28, v32;
	v31 =	vmul.f32 v31, v39;
	[tilespmem:v34+s21+$0x0] =	vst.idx.add.f32.msk $0xffff, v27  }
0x17b: {  	v27 =	vadd.f32 $9.954273100e-01, v29;
	v29 =	vmul.f32 v35, v43;
	v34 =	vmul.f32 v37, v47;
	[tilespmem:v40+s20+$0x0] =	vst.idx.add.s32.msk $0xffff, v2  }
0x17c: {  	v24 =	vmul.f32 v24, v36;
	v33 =	vadd.f32 $9.954273100e-01, v33;
	v28 =	vadd.f32 $9.954273100e-01, v28;
	[tilespmem:v40+s21+$0x0] =	vst.idx.add.f32.msk $0xffff, v25  }
.Ltmp4:
0x17d: {  	v25 =	vmul.f32 v27, v30;
	v27 =	vadd.f32 $9.954273100e-01, v31;
	v31 =	vadd.f32 $9.954273100e-01, v29;
	(pc) =	sbr.rel @p1 .LBB2_7-.Ltmp4, $4  }
0x17e: {  	v26 =	vmul.f32 v33, v26;
	v30 =	vmul.f32 v28, v32;
	v33 =	vadd.f32 $9.954273100e-01, v34;
	[tilespmem:v38+s20+$0x0] =	vst.idx.add.s32.msk $0xffff, v2  }
0x17f: {  	v24 =	vadd.f32 $1.415121810e-04, v24;
	v29 =	vmul.f32 v27, v39;
	v28 =	vmul.f32 v31, v43;
	[tilespmem:v38+s21+$0x0] =	vst.idx.add.f32.msk $0xffff, v20  }
0x180: {  	v32 =	vmul.f32 v44, v16;
	v25 =	vadd.f32 $1.415121810e-04, v25;
	v27 =	vmul.f32 v33, v47  }
0x181: {  	s30 =	sadd.s32 $0x80, s30;
	v26 =	vadd.f32 $1.415121810e-04, v26;
	v33 =	vmul.f32 v49, v17;
	v31 =	vmul.f32 v51, v18  }
0x182: {  	v16 =	vshrl.u32 v15, $0x11  }
0x183: {  	v13 =	vsub.f32 v13, v23;
	v17 =	vshrl.u32 v14, $0x11  }
0x184: {  	v6 =	vsub.f32 v6, v32;
	v18 =	vshrl.u32 v12, $0x11  }
0x185: {  	v13 =	vadd.f32 v24, v13  }
0x186: {  	v20 =	vadd.f32 $1.415121810e-04, v30;
	v4 =	vmul.f32 v19, v4;
	v6 =	vadd.f32 v25, v6  }
0x187: {  	v5 =	vmul.f32 v22, v5;
	v7 =	vsub.f32 v7, v33;
	v13 =	vmax.f32 v13, $0.0e+00;
	[tilespmem:v16+s20+$0x0] =	vst.idx.add.s32.msk $0xffff, v2  }
0x188: {  	v11 =	vsub.f32 v11, v31;
	v6 =	vmax.f32 v6, $0.0e+00;
	v52 =	vshrl.u32 v13, $0x11;
	[tilespmem:v17+s20+$0x0] =	vst.idx.add.s32.msk $0xffff, v2  }
0x189: {  	v53 =	vadd.f32 $1.415121810e-04, v29;
	v7 =	vadd.f32 v26, v7;
	v54 =	vshrl.u32 v6, $0x11;
	[tilespmem:v18+s20+$0x0] =	vst.idx.add.s32.msk $0xffff, v2  }
0x18a: {  	v56 =	vadd.f32 $1.415121810e-04, v28;
	v3 =	vmul.f32 v21, v3;
	v55 =	vadd.f32 v20, v11;
	[tilespmem:v16+s21+$0x0] =	vst.idx.add.f32.msk $0xffff, v15  }
0x18b: {  	v59 =	vadd.f32 $1.415121810e-04, v27;
	v4 =	vsub.f32 v10, v4;
	v7 =	vmax.f32 v7, $0.0e+00;
	[tilespmem:v17+s21+$0x0] =	vst.idx.add.f32.msk $0xffff, v14  }
0x18c: {  	v5 =	vsub.f32 v9, v5;
	v58 =	vmax.f32 v55, $0.0e+00;
	[tilespmem:v18+s21+$0x0] =	vst.idx.add.f32.msk $0xffff, v12;
	v57 =	vshrl.u32 v7, $0x11  }
0x18d: {  	v3 =	vsub.f32 v8, v3;
	v4 =	vadd.f32 v53, v4;
	v60 =	vshrl.u32 v58, $0x11;
	[tilespmem:v52+s20+$0x0] =	vst.idx.add.s32.msk $0xffff, v2  }
0x18e: {  	v5 =	vadd.f32 v56, v5;
	[tilespmem:v54+s20+$0x0] =	vst.idx.add.s32.msk $0xffff, v2  }
0x18f: {  	v3 =	vadd.f32 v59, v3;
	v4 =	vmax.f32 v4, $0.0e+00;
	[tilespmem:v52+s21+$0x0] =	vst.idx.add.f32.msk $0xffff, v13  }
0x190: {  	v5 =	vmax.f32 v5, $0.0e+00;
	v61 =	vshrl.u32 v4, $0x11;
	[tilespmem:v54+s21+$0x0] =	vst.idx.add.f32.msk $0xffff, v6  }
0x191: {  	v3 =	vmax.f32 v3, $0.0e+00;
	v62 =	vshrl.u32 v5, $0x11;
	[tilespmem:v57+s20+$0x0] =	vst.idx.add.s32.msk $0xffff, v2  }
0x192: {  	v63 =	vshrl.u32 v3, $0x11;
	[tilespmem:v60+s20+$0x0] =	vst.idx.add.s32.msk $0xffff, v2  }
0x193: {  	[tilespmem:v57+s21+$0x0] =	vst.idx.add.f32.msk $0xffff, v7  }
0x194: {  	[tilespmem:v60+s21+$0x0] =	vst.idx.add.f32.msk $0xffff, v58  }
0x195: {  	[tilespmem:v61+s20+$0x0] =	vst.idx.add.s32.msk $0xffff, v2  }
.Ltmp5:
0x196: {  	[tilespmem:v62+s20+$0x0] =	vst.idx.add.s32.msk $0xffff, v2;
	(pc) =	sbr.rel @p0 .LBB2_10-.Ltmp5, $4  }
0x197: {  	[tilespmem:v63+s20+$0x0] =	vst.idx.add.s32.msk $0xffff, v2  }
0x198: {  	[tilespmem:v61+s21+$0x0] =	vst.idx.add.f32.msk $0xffff, v4  }
0x199: {  	[tilespmem:v62+s21+$0x0] =	vst.idx.add.f32.msk $0xffff, v5  }
0x19a: {  	[tilespmem:v63+s21+$0x0] =	vst.idx.add.f32.msk $0xffff, v3  }
0x19b: {  	s2 =	sadd.s32 $0x3, s26  }
0x19c: {  	s26 =	sshrl.u32 s2, $0x2  }
0x19d: {  	s26 =	sadd.s32 s5, s26  }
0x19e: {  	s2 =	sshll.u32 s2, $0xD;
	s28 =	sshll.u32 s26, $0xC  }
0x19f: {  	s2 =	sand.u32 $0x6000, s2;
	s26 =	sshll.u32 s26, $0x4;
	s28 =	sand.u32 $0xFFF8000, s28  }
0x1a0: {  	s26 =	sand.u32 $0x70, s26;
	s2 =	sor.u32 s2, s28  }
.Ltmp6:
0x1a1: {  	s2 =	sor.u32 s26, s2;
	(pc) =	sbr.rel .LBB2_4-.Ltmp6, $4  }
0x1a2: {  	s26 =	sadd.s32 s1, s2  }
0x1a3: {  	[tilespmem:s16], [sflag:$0x2] =	stream.strided.gather [hbm4b:s26+s13], $0x2000, s14, s13, $0x38;
	[tilespmem:$0x18000] =	vst v63  }
0x1a4: {  	s25 =	sadd.s32 $0x1, s25;
	s2 =	sadd.s32 s3, s2  }
0x1a5: {  	[tilespmem:s17], [sflag:$0x4] =	stream.strided.gather [hbm4b:s2+s13], $0x2000, s14, s13, $0x38;
	[tilespmem:$0x18000] =	vst v63  }
.LBB2_11:
0x1a6: {  	_ =	sfence.sel $0x180000  }
0x1a7: {  	[bflag:$0x0] =	sbarrier.arrive $0xFFFF  }
0x1a8: {  	_ =	strace $0x90000047  }
0x1a9: {  	[bflag:$0x2] =	sbarrier.arrive $0xFFFF  }
0x1aa: {  	p0 =	sne.s32 s0, $0x0;
	s0 =	rddreg [dreg:$0x3]  }
0x1ab: {  	s0 =	sadd.s32 @!p0 $0x100000, s0  }
0x1ac: {  	[sflag:s0] =	ssyncadd.tile.s32 @!p0 $0x1;
	_ =	shalt  }
.Lfunc_end2:
_tile_overlayer_lowered:
.L_overlay_start_2:
0x1ad: {  	(tag) =	ssettag $0x2  }
0x1ae: {  	s0 =	rddreg [dreg:$0x0];
	s2 =	stileid.u32  }
0x1af: {  	s1 =	rddreg [dreg:$0x1];
	p0 =	sne.s32 s2, $0x0  }
0x1b0: {  	s3 =	rddreg [dreg:$0x2];
	[bflag:$0x3] =	sbarrier.arrive $0xFFFF;
	s2 =	simm.s32 @!p0 $0x1C05  }
0x1b1: {  	[timem:s3], [sflag:s2] =	dma.local @!p0 [hbm:s0], s1  }
0x1b2: {  	s0 =	simm.s32 @!p0 $0x5  }
0x1b3: {  	_ =	swait.ge @!p0 [sflag:s0], s1  }
0x1b4: {  	s1 =	ssub.s32 @!p0 $0x0, s1;
	[sflag:s0] =	ssyncset.done @!p0 $0x0  }
0x1b5: {  	[sflag:s0] =	ssyncadd.s32 @!p0 s1  }
0x1b6: {  	[bflag:$0x3] =	sbarrier.arrive $0xFFFF  }
0x1b7: {  	_ =	shalt  }

</sc_bundles>
